<compile_context>
chip_gen: v7x
topology: tpu7x:2x2x1
jax: 0.10.2.dev20260603
libtpu: 0.0.44.dev20260713+nightly
codegen_flags: <defaults>
</compile_context>

<pallas_src>
import functools

import jax
import jax.numpy as jnp
from jax import lax
from jax.experimental import pallas as pl
from jax.experimental.pallas import tpu as pltpu
from jax.experimental.pallas import tpu_sc as plsc

N = 10000
NPAD = 10240
D = 128
K = 8
DK = 16
F = K * DK
T = 4
E = 80000
NC = 2
NS = 16
ROWS_PT = NPAD // NS
EDGES_PT = E // NS
CH = 50
NCH = 100
EDGES_PT_PAD = NCH * CH
NBUF = 2
RB = 1000
EPS = 1e-12


def _dense_init_body(x_ref, w_ref, b_ref, m_ref, o_ref):
    y = jnp.dot(x_ref[...], w_ref[...], preferred_element_type=jnp.float32)
    y = jnp.tanh(y + b_ref[...])
    s = jnp.dot(y * y, m_ref[...], preferred_element_type=jnp.float32)
    o_ref[...] = y / jnp.maximum(jnp.sqrt(s), EPS)


def _dense_combine_body(f_ref, a_ref, w_ref, b_ref, m_ref, o_ref):
    acc = jnp.dot(f_ref[...], w_ref[0], preferred_element_type=jnp.float32)
    for t in range(T):
        acc = acc + jnp.dot(a_ref[t], w_ref[t + 1],
                            preferred_element_type=jnp.float32)
    y = jnp.tanh(acc + b_ref[...])
    s = jnp.dot(y * y, m_ref[...], preferred_element_type=jnp.float32)
    o_ref[...] = y / jnp.maximum(jnp.sqrt(s), EPS)


def _dense_init(x, w, b, m):
    return pl.pallas_call(
        _dense_init_body,
        grid=(N // RB,),
        in_specs=[
            pl.BlockSpec((RB, D), lambda i: (i, 0)),
            pl.BlockSpec((D, F), lambda i: (0, 0)),
            pl.BlockSpec((1, F), lambda i: (0, 0)),
            pl.BlockSpec((F, F), lambda i: (0, 0)),
        ],
        out_specs=pl.BlockSpec((RB, F), lambda i: (i, 0)),
        out_shape=jax.ShapeDtypeStruct((N, F), jnp.float32),
    )(x, w, b, m)


def _dense_combine(f, aggs, wbd, b, m):
    return pl.pallas_call(
        _dense_combine_body,
        grid=(N // RB,),
        in_specs=[
            pl.BlockSpec((RB, F), lambda i: (i, 0)),
            pl.BlockSpec((T, RB, F), lambda i: (0, i, 0)),
            pl.BlockSpec((T + 1, F, F), lambda i: (0, 0, 0)),
            pl.BlockSpec((1, F), lambda i: (0, 0)),
            pl.BlockSpec((F, F), lambda i: (0, 0)),
        ],
        out_specs=pl.BlockSpec((RB, F), lambda i: (i, 0)),
        out_shape=jax.ShapeDtypeStruct((N, F), jnp.float32),
    )(f, aggs, wbd, b, m)


def _sc_agg_body(f_hbm, edges_hbm, zeros_hbm, out_hbm,
                 src_v, dst_v, r0_v, r1_v, agg_sh,
                 gsem0, gsem1, ssem0, ssem1):
    c = lax.axis_index("c")
    s = lax.axis_index("s")
    row0 = s * ROWS_PT
    rows = (r0_v, r1_v)
    gsems = (gsem0, gsem1)
    ssems = (ssem0, ssem1)

    def gissue(j, b):
        pltpu.async_copy(f_hbm.at[src_v.at[j]], rows[b], gsems[b])

    def gwait(j, b):
        pltpu.make_async_copy(f_hbm.at[src_v.at[j]], rows[b], gsems[b]).wait()

    def sissue(j, b):
        pltpu.async_copy(rows[b], agg_sh.at[dst_v.at[j]], ssems[b], add=True)

    def swait(j, b):
        pltpu.make_async_copy(rows[b], agg_sh.at[dst_v.at[j]],
                              ssems[b]).wait()

    for rnd in range(T // NC):
        t = c * (T // NC) + rnd
        pltpu.sync_copy(zeros_hbm, agg_sh.at[pl.ds(row0, ROWS_PT)])
        pltpu.sync_copy(edges_hbm.at[t, 0, s], src_v)
        pltpu.sync_copy(edges_hbm.at[t, 1, s], dst_v)
        plsc.subcore_barrier()

        for b in range(NBUF):
            gissue(b, b)

        def step(i, carry):
            for b in range(NBUF):
                j = i * NBUF + b
                gwait(j, b)
                sissue(j, b)
            for b in range(NBUF):
                j = i * NBUF + b
                swait(j, b)

                @pl.when(j + NBUF < NCH)
                def _(j=j, b=b):
                    gissue(j + NBUF, b)
            return carry

        lax.fori_loop(0, NCH // NBUF, step, 0)
        plsc.subcore_barrier()
        pltpu.sync_copy(agg_sh.at[pl.ds(row0, ROWS_PT)],
                        out_hbm.at[t, pl.ds(row0, ROWS_PT)])


@functools.cache
def _sc_agg_kernel():
    return pl.kernel(
        _sc_agg_body,
        out_type=jax.ShapeDtypeStruct((T, NPAD, F), jnp.float32),
        mesh=plsc.VectorSubcoreMesh(
            core_axis_name="c", subcore_axis_name="s",
            num_cores=NC, num_subcores=NS),
        scratch_types=[
            pltpu.VMEM((NCH, CH), jnp.int32),
            pltpu.VMEM((NCH, CH), jnp.int32),
        ] + [pltpu.VMEM((CH, F), jnp.float32)] * NBUF + [
            pltpu.VMEM_SHARED((NPAD, F), jnp.float32),
        ] + [pltpu.SemaphoreType.DMA] * (2 * NBUF),
    )


def _pad_edges(edges_each_type):
    e = edges_each_type.astype(jnp.int32).reshape(T, 2, NS, EDGES_PT)
    pad = EDGES_PT_PAD - EDGES_PT
    src = jnp.pad(e[:, 0], ((0, 0), (0, 0), (0, pad)))
    dst = jnp.pad(e[:, 1], ((0, 0), (0, 0), (0, pad)), constant_values=N)
    return jnp.stack([src, dst], axis=1).reshape(T, 2, NS, NCH, CH)


def _sc_agg(f, edges, zeros):
    return _sc_agg_kernel()(f, edges, zeros)


def _block_diag_weights(w):
    w5 = w.reshape(K, T + 1, DK, DK).transpose(1, 0, 2, 3)
    eye = jnp.eye(K, dtype=w.dtype)
    wbd = w5[:, :, :, None, :] * eye[None, :, None, :, None]
    return wbd.reshape(T + 1, F, F)


def kernel(X, edges_each_type, disen_weights, disen_bias,
           conv_W_0, conv_b_0, conv_W_1, conv_b_1):
    edges = _pad_edges(edges_each_type)
    zeros = jnp.zeros((ROWS_PT, F), jnp.float32)
    lanes = jnp.arange(F) % DK
    m = (lanes[:, None] == lanes[None, :]).astype(jnp.float32)

    wd = disen_weights.transpose(1, 0, 2).reshape(D, F)
    f = _dense_init(X, wd, disen_bias.reshape(1, F), m)

    for w, b in ((conv_W_0, conv_b_0), (conv_W_1, conv_b_1)):
        aggs = _sc_agg(f, edges, zeros)
        f = _dense_combine(f, aggs, _block_diag_weights(w), b.reshape(1, F), m)

    return f.reshape(N, K, DK)

# --- scband reference (transcript-rebuilt; emitter-appended) ---
"""Pipeline reference for scband-dinesencoder-63067299775235 (READ-ONLY COPY).

The authoritative reference and input builder live on the scoring server;
editing this copy changes nothing except your own understanding.
"""

import jax, jax.numpy as jnp
import numpy as np

N = 10000
D = 128
K = 8
DK = D // K  # 16
L = 2
NUM_NEIGH_TYPE = 4
E_PER_TYPE = 80000


def _l2_normalize_dim1(x, eps=1e-12):
    # faithful to torch.nn.functional.normalize(x, p=2, dim=1)
    nrm = jnp.sqrt(jnp.sum(x * x, axis=1, keepdims=True))
    return x / jnp.maximum(nrm, eps)


def setup_inputs(seed: int = 0) -> dict:
    key = jax.random.key(seed)
    ks = jax.random.split(key, 8)
    X = jax.random.normal(ks[0], (N, D), dtype=jnp.float32)
    edges_each_type = jax.random.randint(ks[1], (NUM_NEIGH_TYPE, 2, E_PER_TYPE), 0, N, dtype=jnp.int64)
    # InitDisenLayer params: disen_weights (K, d_in, d_in//K) xavier-uniform, bias zeros
    fan_in = D * DK
    fan_out = K * DK
    bound = float(np.sqrt(6.0 / (fan_in + fan_out)))
    disen_weights = jax.random.uniform(ks[2], (K, D, DK), minval=-bound, maxval=bound, dtype=jnp.float32)
    disen_bias = jnp.zeros((1, K, DK), dtype=jnp.float32)
    # DSGConv params per layer: per-factor transform of [self || 4 typed aggregations]
    # W_l: (K, (num_neigh_type+1)*DK, DK), b_l: (1, K, DK)
    cin = (NUM_NEIGH_TYPE + 1) * DK
    bnd2 = float(np.sqrt(6.0 / (cin * DK + K * DK)))
    conv_W_0 = jax.random.uniform(ks[3], (K, cin, DK), minval=-bnd2, maxval=bnd2, dtype=jnp.float32)
    conv_b_0 = jnp.zeros((1, K, DK), dtype=jnp.float32)
    conv_W_1 = jax.random.uniform(ks[4], (K, cin, DK), minval=-bnd2, maxval=bnd2, dtype=jnp.float32)
    conv_b_1 = jnp.zeros((1, K, DK), dtype=jnp.float32)
    return {
        "X": X,
        "edges_each_type": edges_each_type,
        "disen_weights": disen_weights,
        "disen_bias": disen_bias,
        "conv_W_0": conv_W_0,
        "conv_b_0": conv_b_0,
        "conv_W_1": conv_W_1,
        "conv_b_1": conv_b_1,
    }


def _dsg_conv(f, edges_each_type, W, b):
    # f: (N, K, DK). For each neighbor type, sum-aggregate source factor
    # embeddings into destination nodes (aggr_type='sum'), concat with self,
    # then per-factor linear transform + tanh + L2-normalize over factor dim.
    parts = [f]
    for t in range(NUM_NEIGH_TYPE):
        src = edges_each_type[t, 0]
        dst = edges_each_type[t, 1]
        msg = jnp.take(f, src, axis=0)  # gather (E, K, DK)
        agg = jax.ops.segment_sum(msg, dst, num_segments=N)  # scatter-add
        parts.append(agg)
    m = jnp.concatenate(parts, axis=-1)  # (N, K, 5*DK)
    out = jnp.einsum('nkj,kjl->nkl', m, W) + b
    return _l2_normalize_dim1(jnp.tanh(out))


def reference(X, edges_each_type, disen_weights, disen_bias, conv_W_0, conv_b_0, conv_W_1, conv_b_1):
    # InitDisenLayer: (N, d_in) x (K, d_in, DK) -> (N, K, DK)
    f = jnp.einsum('ij,kjl->ikl', X, disen_weights) + disen_bias
    f = _l2_normalize_dim1(jnp.tanh(f))
    # L=2 DSGConv layers over 4 signed-directed neighbor types
    f = _dsg_conv(f, edges_each_type, conv_W_0, conv_b_0)
    f = _dsg_conv(f, edges_each_type, conv_W_1, conv_b_1)
    return f

if __name__ == "__main__":
    import jax
    _d = setup_inputs()
    print(jax.jit(kernel)(*tuple(_d.values())))

</pallas_src>

<mosaic_0001>
#map = affine_map<(d0, d1) -> (0, 0)>
#map1 = affine_map<(d0, d1) -> (0, 0, 0, 0, 0)>
#map2 = affine_map<(d0, d1) -> (0, 0, 0)>
module attributes {stable_mosaic.version = 14 : i64} {
  func.func @_sc_agg_body(%arg0: i32, %arg1: i32, %arg2: memref<10000x128xf32, #tpu.memory_space<hbm>>, %arg3: memref<4x2x16x100x50xi32, #tpu.memory_space<hbm>>, %arg4: memref<640x128xf32, #tpu.memory_space<hbm>>, %arg5: memref<4x10240x128xf32, #tpu.memory_space<hbm>>, %arg6: memref<100x50xi32, #tpu.memory_space<vmem>>, %arg7: memref<100x50xi32, #tpu.memory_space<vmem>>, %arg8: memref<50x128xf32, #tpu.memory_space<vmem>>, %arg9: memref<50x128xf32, #tpu.memory_space<vmem>>, %arg10: memref<10240x128xf32, #tpu.memory_space<vmem_shared>>, %arg11: memref<!tpu.dma_semaphore, #tpu.memory_space<semaphore_mem>>, %arg12: memref<!tpu.dma_semaphore, #tpu.memory_space<semaphore_mem>>, %arg13: memref<!tpu.dma_semaphore, #tpu.memory_space<semaphore_mem>>, %arg14: memref<!tpu.dma_semaphore, #tpu.memory_space<semaphore_mem>>) attributes {dimension_semantics = [#tpu.dimension_semantics<core_parallel>, #tpu.dimension_semantics<subcore_parallel>], iteration_bounds = array<i64: 2, 16>, scalar_prefetch = 0 : i64, scratch_operands = 9 : i64, tpu.core_type = #tpu.core_type<sc_vector_subcore>, window_params = [{transform_indices = #map}, {transform_indices = #map1}, {transform_indices = #map}, {transform_indices = #map2}]} {
    %mul3A = arith.constant 640 : i32
    %mul3A_0 = arith.muli %arg1, %mul3A : i32
    %mul3A_1 = arith.constant 2 : i32
    %mul3A_2 = arith.muli %arg0, %mul3A_1 : i32
    %add3A = arith.constant 0 : i32
    %add3A_3 = arith.addi %mul3A_2, %add3A : i32
    "tpu.region"() ({
      %run_scoped3A_52 = tpu.sem_alloc : memref<!tpu.dma_semaphore, #tpu.memory_space<semaphore_mem>>
      %dma_start3A_53 = arith.constant 0 : i32
      %dma_start3A_54 = tpu.memref_slice %arg10[%mul3A_0, %dma_start3A_53] : memref<10240x128xf32, #tpu.memory_space<vmem_shared>> -> memref<640x128xf32, #tpu.memory_space<vmem_shared>>
      tpu.enqueue_dma source(%arg4 : memref<640x128xf32, #tpu.memory_space<hbm>>) target(%dma_start3A_54 : memref<640x128xf32, #tpu.memory_space<vmem_shared>>) target_semaphore(%run_scoped3A_52 : memref<!tpu.dma_semaphore, #tpu.memory_space<semaphore_mem>>)
      %dma_wait3A = arith.constant 0 : i32
      %dma_wait3A_55 = tpu.memref_slice %arg10[%mul3A_0, %dma_wait3A] : memref<10240x128xf32, #tpu.memory_space<vmem_shared>> -> memref<640x128xf32, #tpu.memory_space<vmem_shared>>
      tpu.wait_dma2 semaphore(%run_scoped3A_52 : memref<!tpu.dma_semaphore, #tpu.memory_space<semaphore_mem>>) src(%arg4 : memref<640x128xf32, #tpu.memory_space<hbm>>) dst(%dma_wait3A_55 : memref<640x128xf32, #tpu.memory_space<vmem_shared>>)
      tpu.yield
    }) : () -> ()
    %run_scoped3A = arith.constant 0 : i32
    "tpu.region"() ({
      %run_scoped3A_52 = tpu.sem_alloc : memref<!tpu.dma_semaphore, #tpu.memory_space<semaphore_mem>>
      %dma_start3A_53 = arith.constant 0 : i32
      %dma_start3A_54 = arith.constant 0 : i32
      %dma_start3A_55 = tpu.memref_slice %arg3[%add3A_3, %run_scoped3A, %arg1, %dma_start3A_53, %dma_start3A_54] : memref<4x2x16x100x50xi32, #tpu.memory_space<hbm>> -> memref<1x1x1x100x50xi32, #tpu.memory_space<hbm>>
      %dma_start3A_56 = tpu.memref_squeeze %dma_start3A_55 : memref<1x1x1x100x50xi32, #tpu.memory_space<hbm>> -> memref<100x50xi32, #tpu.memory_space<hbm>>
      %dma_start3A_57 = arith.constant 0 : i32
      %dma_start3A_58 = arith.constant 0 : i32
      %dma_start3A_59 = tpu.memref_slice %arg3[%add3A_3, %run_scoped3A, %arg1, %dma_start3A_57, %dma_start3A_58] : memref<4x2x16x100x50xi32, #tpu.memory_space<hbm>> -> memref<1x1x1x100x50xi32, #tpu.memory_space<hbm>>
      %dma_start3A_60 = tpu.memref_squeeze %dma_start3A_59 : memref<1x1x1x100x50xi32, #tpu.memory_space<hbm>> -> memref<100x50xi32, #tpu.memory_space<hbm>>
      tpu.enqueue_dma source(%dma_start3A_60 : memref<100x50xi32, #tpu.memory_space<hbm>>) target(%arg6 : memref<100x50xi32, #tpu.memory_space<vmem>>) target_semaphore(%run_scoped3A_52 : memref<!tpu.dma_semaphore, #tpu.memory_space<semaphore_mem>>)
      %dma_wait3A = arith.constant 0 : i32
      %dma_wait3A_61 = arith.constant 0 : i32
      %dma_wait3A_62 = tpu.memref_slice %arg3[%add3A_3, %run_scoped3A, %arg1, %dma_wait3A, %dma_wait3A_61] : memref<4x2x16x100x50xi32, #tpu.memory_space<hbm>> -> memref<1x1x1x100x50xi32, #tpu.memory_space<hbm>>
      %dma_wait3A_63 = tpu.memref_squeeze %dma_wait3A_62 : memref<1x1x1x100x50xi32, #tpu.memory_space<hbm>> -> memref<100x50xi32, #tpu.memory_space<hbm>>
      %dma_wait3A_64 = arith.constant 0 : i32
      %dma_wait3A_65 = arith.constant 0 : i32
      %dma_wait3A_66 = tpu.memref_slice %arg3[%add3A_3, %run_scoped3A, %arg1, %dma_wait3A_64, %dma_wait3A_65] : memref<4x2x16x100x50xi32, #tpu.memory_space<hbm>> -> memref<1x1x1x100x50xi32, #tpu.memory_space<hbm>>
      %dma_wait3A_67 = tpu.memref_squeeze %dma_wait3A_66 : memref<1x1x1x100x50xi32, #tpu.memory_space<hbm>> -> memref<100x50xi32, #tpu.memory_space<hbm>>
      tpu.wait_dma2 semaphore(%run_scoped3A_52 : memref<!tpu.dma_semaphore, #tpu.memory_space<semaphore_mem>>) src(%dma_wait3A_67 : memref<100x50xi32, #tpu.memory_space<hbm>>) dst(%arg6 : memref<100x50xi32, #tpu.memory_space<vmem>>)
      tpu.yield
    }) : () -> ()
    %run_scoped3A_4 = arith.constant 1 : i32
    "tpu.region"() ({
      %run_scoped3A_52 = tpu.sem_alloc : memref<!tpu.dma_semaphore, #tpu.memory_space<semaphore_mem>>
      %dma_start3A_53 = arith.constant 0 : i32
      %dma_start3A_54 = arith.constant 0 : i32
      %dma_start3A_55 = tpu.memref_slice %arg3[%add3A_3, %run_scoped3A_4, %arg1, %dma_start3A_53, %dma_start3A_54] : memref<4x2x16x100x50xi32, #tpu.memory_space<hbm>> -> memref<1x1x1x100x50xi32, #tpu.memory_space<hbm>>
      %dma_start3A_56 = tpu.memref_squeeze %dma_start3A_55 : memref<1x1x1x100x50xi32, #tpu.memory_space<hbm>> -> memref<100x50xi32, #tpu.memory_space<hbm>>
      %dma_start3A_57 = arith.constant 0 : i32
      %dma_start3A_58 = arith.constant 0 : i32
      %dma_start3A_59 = tpu.memref_slice %arg3[%add3A_3, %run_scoped3A_4, %arg1, %dma_start3A_57, %dma_start3A_58] : memref<4x2x16x100x50xi32, #tpu.memory_space<hbm>> -> memref<1x1x1x100x50xi32, #tpu.memory_space<hbm>>
      %dma_start3A_60 = tpu.memref_squeeze %dma_start3A_59 : memref<1x1x1x100x50xi32, #tpu.memory_space<hbm>> -> memref<100x50xi32, #tpu.memory_space<hbm>>
      tpu.enqueue_dma source(%dma_start3A_60 : memref<100x50xi32, #tpu.memory_space<hbm>>) target(%arg7 : memref<100x50xi32, #tpu.memory_space<vmem>>) target_semaphore(%run_scoped3A_52 : memref<!tpu.dma_semaphore, #tpu.memory_space<semaphore_mem>>)
      %dma_wait3A = arith.constant 0 : i32
      %dma_wait3A_61 = arith.constant 0 : i32
      %dma_wait3A_62 = tpu.memref_slice %arg3[%add3A_3, %run_scoped3A_4, %arg1, %dma_wait3A, %dma_wait3A_61] : memref<4x2x16x100x50xi32, #tpu.memory_space<hbm>> -> memref<1x1x1x100x50xi32, #tpu.memory_space<hbm>>
      %dma_wait3A_63 = tpu.memref_squeeze %dma_wait3A_62 : memref<1x1x1x100x50xi32, #tpu.memory_space<hbm>> -> memref<100x50xi32, #tpu.memory_space<hbm>>
      %dma_wait3A_64 = arith.constant 0 : i32
      %dma_wait3A_65 = arith.constant 0 : i32
      %dma_wait3A_66 = tpu.memref_slice %arg3[%add3A_3, %run_scoped3A_4, %arg1, %dma_wait3A_64, %dma_wait3A_65] : memref<4x2x16x100x50xi32, #tpu.memory_space<hbm>> -> memref<1x1x1x100x50xi32, #tpu.memory_space<hbm>>
      %dma_wait3A_67 = tpu.memref_squeeze %dma_wait3A_66 : memref<1x1x1x100x50xi32, #tpu.memory_space<hbm>> -> memref<100x50xi32, #tpu.memory_space<hbm>>
      tpu.wait_dma2 semaphore(%run_scoped3A_52 : memref<!tpu.dma_semaphore, #tpu.memory_space<semaphore_mem>>) src(%dma_wait3A_67 : memref<100x50xi32, #tpu.memory_space<hbm>>) dst(%arg7 : memref<100x50xi32, #tpu.memory_space<vmem>>)
      tpu.yield
    }) : () -> ()
    %barrier3A = arith.constant 0 : index
    tpu.barrier barrier_id(%barrier3A)
    %dma_start3A = arith.constant 0 : i32
    %dma_start3A_5 = arith.constant 0 : i32
    %dma_start3A_6 = tpu.memref_slice %arg6[%dma_start3A, %dma_start3A_5] : memref<100x50xi32, #tpu.memory_space<vmem>> -> memref<1x50xi32, #tpu.memory_space<vmem>>
    %dma_start3A_7 = tpu.memref_squeeze %dma_start3A_6 : memref<1x50xi32, #tpu.memory_space<vmem>> -> memref<50xi32, #tpu.memory_space<vmem>>
    %dma_start3A_8 = arith.constant 0 : i32
    %dma_start3A_9 = arith.constant 0 : i32
    %dma_start3A_10 = tpu.memref_slice %arg2[%dma_start3A_8, %dma_start3A_9] : memref<10000x128xf32, #tpu.memory_space<hbm>> -> memref<10000x128xf32, #tpu.memory_space<hbm>>
    tpu.enqueue_indirect_dma source(%dma_start3A_10 : memref<10000x128xf32, #tpu.memory_space<hbm>>) target(%arg8 : memref<50x128xf32, #tpu.memory_space<vmem>>) offsets(%dma_start3A_7 : memref<50xi32, #tpu.memory_space<vmem>>) semaphore(%arg11 : memref<!tpu.dma_semaphore, #tpu.memory_space<semaphore_mem>>)
    %dma_start3A_11 = arith.constant 1 : i32
    %dma_start3A_12 = arith.constant 0 : i32
    %dma_start3A_13 = tpu.memref_slice %arg6[%dma_start3A_11, %dma_start3A_12] : memref<100x50xi32, #tpu.memory_space<vmem>> -> memref<1x50xi32, #tpu.memory_space<vmem>>
    %dma_start3A_14 = tpu.memref_squeeze %dma_start3A_13 : memref<1x50xi32, #tpu.memory_space<vmem>> -> memref<50xi32, #tpu.memory_space<vmem>>
    %dma_start3A_15 = arith.constant 0 : i32
    %dma_start3A_16 = arith.constant 0 : i32
    %dma_start3A_17 = tpu.memref_slice %arg2[%dma_start3A_15, %dma_start3A_16] : memref<10000x128xf32, #tpu.memory_space<hbm>> -> memref<10000x128xf32, #tpu.memory_space<hbm>>
    tpu.enqueue_indirect_dma source(%dma_start3A_17 : memref<10000x128xf32, #tpu.memory_space<hbm>>) target(%arg9 : memref<50x128xf32, #tpu.memory_space<vmem>>) offsets(%dma_start3A_14 : memref<50xi32, #tpu.memory_space<vmem>>) semaphore(%arg12 : memref<!tpu.dma_semaphore, #tpu.memory_space<semaphore_mem>>)
    %scan3A = arith.constant 0 : i32
    %scan3A_18 = arith.constant 0 : i32
    %scan3A_19 = arith.constant 50 : i32
    %scan3A_20 = arith.addi %scan3A_18, %scan3A_19 : i32
    %scan3A_21 = arith.constant 1 : i32
    scf.for %scan3A_52 = %scan3A_18 to %scan3A_20 step %scan3A_21  : i32 {
      %mul3A_53 = arith.constant 2 : i32
      %mul3A_54 = arith.muli %scan3A_52, %mul3A_53 : i32
      %add3A_55 = arith.constant 0 : i32
      %add3A_56 = arith.addi %mul3A_54, %add3A_55 : i32
      %dma_wait3A = arith.constant 0 : i32
      %dma_wait3A_57 = tpu.memref_slice %arg6[%add3A_56, %dma_wait3A] : memref<100x50xi32, #tpu.memory_space<vmem>> -> memref<1x50xi32, #tpu.memory_space<vmem>>
      %dma_wait3A_58 = tpu.memref_squeeze %dma_wait3A_57 : memref<1x50xi32, #tpu.memory_space<vmem>> -> memref<50xi32, #tpu.memory_space<vmem>>
      %dma_wait3A_59 = arith.constant 0 : i32
      %dma_wait3A_60 = arith.constant 0 : i32
      %dma_wait3A_61 = tpu.memref_slice %arg2[%dma_wait3A_59, %dma_wait3A_60] : memref<10000x128xf32, #tpu.memory_space<hbm>> -> memref<10000x128xf32, #tpu.memory_space<hbm>>
      tpu.wait_indirect_dma semaphore(%arg11 : memref<!tpu.dma_semaphore, #tpu.memory_space<semaphore_mem>>) src(%dma_wait3A_61 : memref<10000x128xf32, #tpu.memory_space<hbm>>) dst(%arg8 : memref<50x128xf32, #tpu.memory_space<vmem>>)
      %dma_start3A_62 = arith.constant 0 : i32
      %dma_start3A_63 = tpu.memref_slice %arg7[%add3A_56, %dma_start3A_62] : memref<100x50xi32, #tpu.memory_space<vmem>> -> memref<1x50xi32, #tpu.memory_space<vmem>>
      %dma_start3A_64 = tpu.memref_squeeze %dma_start3A_63 : memref<1x50xi32, #tpu.memory_space<vmem>> -> memref<50xi32, #tpu.memory_space<vmem>>
      %dma_start3A_65 = arith.constant 0 : i32
      %dma_start3A_66 = arith.constant 0 : i32
      %dma_start3A_67 = tpu.memref_slice %arg10[%dma_start3A_65, %dma_start3A_66] : memref<10240x128xf32, #tpu.memory_space<vmem_shared>> -> memref<10240x128xf32, #tpu.memory_space<vmem_shared>>
      tpu.enqueue_indirect_dma source(%arg8 : memref<50x128xf32, #tpu.memory_space<vmem>>) target(%dma_start3A_67 : memref<10240x128xf32, #tpu.memory_space<vmem_shared>>) offsets(%dma_start3A_64 : memref<50xi32, #tpu.memory_space<vmem>>) semaphore(%arg13 : memref<!tpu.dma_semaphore, #tpu.memory_space<semaphore_mem>>) {add = true}
      %mul3A_68 = arith.constant 2 : i32
      %mul3A_69 = arith.muli %scan3A_52, %mul3A_68 : i32
      %add3A_70 = arith.constant 1 : i32
      %add3A_71 = arith.addi %mul3A_69, %add3A_70 : i32
      %dma_wait3A_72 = arith.constant 0 : i32
      %dma_wait3A_73 = tpu.memref_slice %arg6[%add3A_71, %dma_wait3A_72] : memref<100x50xi32, #tpu.memory_space<vmem>> -> memref<1x50xi32, #tpu.memory_space<vmem>>
      %dma_wait3A_74 = tpu.memref_squeeze %dma_wait3A_73 : memref<1x50xi32, #tpu.memory_space<vmem>> -> memref<50xi32, #tpu.memory_space<vmem>>
      %dma_wait3A_75 = arith.constant 0 : i32
      %dma_wait3A_76 = arith.constant 0 : i32
      %dma_wait3A_77 = tpu.memref_slice %arg2[%dma_wait3A_75, %dma_wait3A_76] : memref<10000x128xf32, #tpu.memory_space<hbm>> -> memref<10000x128xf32, #tpu.memory_space<hbm>>
      tpu.wait_indirect_dma semaphore(%arg12 : memref<!tpu.dma_semaphore, #tpu.memory_space<semaphore_mem>>) src(%dma_wait3A_77 : memref<10000x128xf32, #tpu.memory_space<hbm>>) dst(%arg9 : memref<50x128xf32, #tpu.memory_space<vmem>>)
      %dma_start3A_78 = arith.constant 0 : i32
      %dma_start3A_79 = tpu.memref_slice %arg7[%add3A_71, %dma_start3A_78] : memref<100x50xi32, #tpu.memory_space<vmem>> -> memref<1x50xi32, #tpu.memory_space<vmem>>
      %dma_start3A_80 = tpu.memref_squeeze %dma_start3A_79 : memref<1x50xi32, #tpu.memory_space<vmem>> -> memref<50xi32, #tpu.memory_space<vmem>>
      %dma_start3A_81 = arith.constant 0 : i32
      %dma_start3A_82 = arith.constant 0 : i32
      %dma_start3A_83 = tpu.memref_slice %arg10[%dma_start3A_81, %dma_start3A_82] : memref<10240x128xf32, #tpu.memory_space<vmem_shared>> -> memref<10240x128xf32, #tpu.memory_space<vmem_shared>>
      tpu.enqueue_indirect_dma source(%arg9 : memref<50x128xf32, #tpu.memory_space<vmem>>) target(%dma_start3A_83 : memref<10240x128xf32, #tpu.memory_space<vmem_shared>>) offsets(%dma_start3A_80 : memref<50xi32, #tpu.memory_space<vmem>>) semaphore(%arg14 : memref<!tpu.dma_semaphore, #tpu.memory_space<semaphore_mem>>) {add = true}
      %mul3A_84 = arith.constant 2 : i32
      %mul3A_85 = arith.muli %scan3A_52, %mul3A_84 : i32
      %add3A_86 = arith.constant 0 : i32
      %add3A_87 = arith.addi %mul3A_85, %add3A_86 : i32
      %dma_wait3A_88 = arith.constant 0 : i32
      %dma_wait3A_89 = tpu.memref_slice %arg7[%add3A_87, %dma_wait3A_88] : memref<100x50xi32, #tpu.memory_space<vmem>> -> memref<1x50xi32, #tpu.memory_space<vmem>>
      %dma_wait3A_90 = tpu.memref_squeeze %dma_wait3A_89 : memref<1x50xi32, #tpu.memory_space<vmem>> -> memref<50xi32, #tpu.memory_space<vmem>>
      %dma_wait3A_91 = arith.constant 0 : i32
      %dma_wait3A_92 = arith.constant 0 : i32
      %dma_wait3A_93 = tpu.memref_slice %arg10[%dma_wait3A_91, %dma_wait3A_92] : memref<10240x128xf32, #tpu.memory_space<vmem_shared>> -> memref<10240x128xf32, #tpu.memory_space<vmem_shared>>
      tpu.wait_indirect_dma semaphore(%arg13 : memref<!tpu.dma_semaphore, #tpu.memory_space<semaphore_mem>>) src(%arg8 : memref<50x128xf32, #tpu.memory_space<vmem>>) dst(%dma_wait3A_93 : memref<10240x128xf32, #tpu.memory_space<vmem_shared>>)
      %add3A_94 = arith.constant 2 : i32
      %add3A_95 = arith.addi %add3A_87, %add3A_94 : i32
      %lt3A = arith.constant 100 : i32
      %lt3A_96 = arith.cmpi slt, %add3A_95, %lt3A : i32
      %convert_element_type3A = arith.extui %lt3A_96 : i1 to i32
      %cond3A = arith.constant 0 : i32
      %cond3A_97 = arith.cmpi ne, %convert_element_type3A, %cond3A : i32
      scf.if %cond3A_97 {
        %add3A_115 = arith.constant 2 : i32
        %add3A_116 = arith.addi %add3A_87, %add3A_115 : i32
        %dma_start3A_117 = arith.constant 0 : i32
        %dma_start3A_118 = tpu.memref_slice %arg6[%add3A_116, %dma_start3A_117] : memref<100x50xi32, #tpu.memory_space<vmem>> -> memref<1x50xi32, #tpu.memory_space<vmem>>
        %dma_start3A_119 = tpu.memref_squeeze %dma_start3A_118 : memref<1x50xi32, #tpu.memory_space<vmem>> -> memref<50xi32, #tpu.memory_space<vmem>>
        %dma_start3A_120 = arith.constant 0 : i32
        %dma_start3A_121 = arith.constant 0 : i32
        %dma_start3A_122 = tpu.memref_slice %arg2[%dma_start3A_120, %dma_start3A_121] : memref<10000x128xf32, #tpu.memory_space<hbm>> -> memref<10000x128xf32, #tpu.memory_space<hbm>>
        tpu.enqueue_indirect_dma source(%dma_start3A_122 : memref<10000x128xf32, #tpu.memory_space<hbm>>) target(%arg8 : memref<50x128xf32, #tpu.memory_space<vmem>>) offsets(%dma_start3A_119 : memref<50xi32, #tpu.memory_space<vmem>>) semaphore(%arg11 : memref<!tpu.dma_semaphore, #tpu.memory_space<semaphore_mem>>)
      } else {
      }
      %mul3A_98 = arith.constant 2 : i32
      %mul3A_99 = arith.muli %scan3A_52, %mul3A_98 : i32
      %add3A_100 = arith.constant 1 : i32
      %add3A_101 = arith.addi %mul3A_99, %add3A_100 : i32
      %dma_wait3A_102 = arith.constant 0 : i32
      %dma_wait3A_103 = tpu.memref_slice %arg7[%add3A_101, %dma_wait3A_102] : memref<100x50xi32, #tpu.memory_space<vmem>> -> memref<1x50xi32, #tpu.memory_space<vmem>>
      %dma_wait3A_104 = tpu.memref_squeeze %dma_wait3A_103 : memref<1x50xi32, #tpu.memory_space<vmem>> -> memref<50xi32, #tpu.memory_space<vmem>>
      %dma_wait3A_105 = arith.constant 0 : i32
      %dma_wait3A_106 = arith.constant 0 : i32
      %dma_wait3A_107 = tpu.memref_slice %arg10[%dma_wait3A_105, %dma_wait3A_106] : memref<10240x128xf32, #tpu.memory_space<vmem_shared>> -> memref<10240x128xf32, #tpu.memory_space<vmem_shared>>
      tpu.wait_indirect_dma semaphore(%arg14 : memref<!tpu.dma_semaphore, #tpu.memory_space<semaphore_mem>>) src(%arg9 : memref<50x128xf32, #tpu.memory_space<vmem>>) dst(%dma_wait3A_107 : memref<10240x128xf32, #tpu.memory_space<vmem_shared>>)
      %add3A_108 = arith.constant 2 : i32
      %add3A_109 = arith.addi %add3A_101, %add3A_108 : i32
      %lt3A_110 = arith.constant 100 : i32
      %lt3A_111 = arith.cmpi slt, %add3A_109, %lt3A_110 : i32
      %convert_element_type3A_112 = arith.extui %lt3A_111 : i1 to i32
      %cond3A_113 = arith.constant 0 : i32
      %cond3A_114 = arith.cmpi ne, %convert_element_type3A_112, %cond3A_113 : i32
      scf.if %cond3A_114 {
        %add3A_115 = arith.constant 2 : i32
        %add3A_116 = arith.addi %add3A_101, %add3A_115 : i32
        %dma_start3A_117 = arith.constant 0 : i32
        %dma_start3A_118 = tpu.memref_slice %arg6[%add3A_116, %dma_start3A_117] : memref<100x50xi32, #tpu.memory_space<vmem>> -> memref<1x50xi32, #tpu.memory_space<vmem>>
        %dma_start3A_119 = tpu.memref_squeeze %dma_start3A_118 : memref<1x50xi32, #tpu.memory_space<vmem>> -> memref<50xi32, #tpu.memory_space<vmem>>
        %dma_start3A_120 = arith.constant 0 : i32
        %dma_start3A_121 = arith.constant 0 : i32
        %dma_start3A_122 = tpu.memref_slice %arg2[%dma_start3A_120, %dma_start3A_121] : memref<10000x128xf32, #tpu.memory_space<hbm>> -> memref<10000x128xf32, #tpu.memory_space<hbm>>
        tpu.enqueue_indirect_dma source(%dma_start3A_122 : memref<10000x128xf32, #tpu.memory_space<hbm>>) target(%arg9 : memref<50x128xf32, #tpu.memory_space<vmem>>) offsets(%dma_start3A_119 : memref<50xi32, #tpu.memory_space<vmem>>) semaphore(%arg12 : memref<!tpu.dma_semaphore, #tpu.memory_space<semaphore_mem>>)
      } else {
      }
    }
    %scan3A_22 = arith.constant 50 : i32
    %barrier3A_23 = arith.constant 0 : index
    tpu.barrier barrier_id(%barrier3A_23)
    "tpu.region"() ({
      %run_scoped3A_52 = tpu.sem_alloc : memref<!tpu.dma_semaphore, #tpu.memory_space<semaphore_mem>>
      %dma_start3A_53 = arith.constant 0 : i32
      %dma_start3A_54 = tpu.memref_slice %arg5[%add3A_3, %mul3A_0, %dma_start3A_53] : memref<4x10240x128xf32, #tpu.memory_space<hbm>> -> memref<1x640x128xf32, #tpu.memory_space<hbm>>
      %dma_start3A_55 = tpu.memref_squeeze %dma_start3A_54 : memref<1x640x128xf32, #tpu.memory_space<hbm>> -> memref<640x128xf32, #tpu.memory_space<hbm>>
      %dma_start3A_56 = arith.constant 0 : i32
      %dma_start3A_57 = tpu.memref_slice %arg10[%mul3A_0, %dma_start3A_56] : memref<10240x128xf32, #tpu.memory_space<vmem_shared>> -> memref<640x128xf32, #tpu.memory_space<vmem_shared>>
      tpu.enqueue_dma source(%dma_start3A_57 : memref<640x128xf32, #tpu.memory_space<vmem_shared>>) target(%dma_start3A_55 : memref<640x128xf32, #tpu.memory_space<hbm>>) target_semaphore(%run_scoped3A_52 : memref<!tpu.dma_semaphore, #tpu.memory_space<semaphore_mem>>)
      %dma_wait3A = arith.constant 0 : i32
      %dma_wait3A_58 = tpu.memref_slice %arg5[%add3A_3, %mul3A_0, %dma_wait3A] : memref<4x10240x128xf32, #tpu.memory_space<hbm>> -> memref<1x640x128xf32, #tpu.memory_space<hbm>>
      %dma_wait3A_59 = tpu.memref_squeeze %dma_wait3A_58 : memref<1x640x128xf32, #tpu.memory_space<hbm>> -> memref<640x128xf32, #tpu.memory_space<hbm>>
      %dma_wait3A_60 = arith.constant 0 : i32
      %dma_wait3A_61 = tpu.memref_slice %arg10[%mul3A_0, %dma_wait3A_60] : memref<10240x128xf32, #tpu.memory_space<vmem_shared>> -> memref<640x128xf32, #tpu.memory_space<vmem_shared>>
      tpu.wait_dma2 semaphore(%run_scoped3A_52 : memref<!tpu.dma_semaphore, #tpu.memory_space<semaphore_mem>>) src(%dma_wait3A_61 : memref<640x128xf32, #tpu.memory_space<vmem_shared>>) dst(%dma_wait3A_59 : memref<640x128xf32, #tpu.memory_space<hbm>>)
      tpu.yield
    }) : () -> ()
    %mul3A_24 = arith.constant 2 : i32
    %mul3A_25 = arith.muli %arg0, %mul3A_24 : i32
    %add3A_26 = arith.constant 1 : i32
    %add3A_27 = arith.addi %mul3A_25, %add3A_26 : i32
    "tpu.region"() ({
      %run_scoped3A_52 = tpu.sem_alloc : memref<!tpu.dma_semaphore, #tpu.memory_space<semaphore_mem>>
      %dma_start3A_53 = arith.constant 0 : i32
      %dma_start3A_54 = tpu.memref_slice %arg10[%mul3A_0, %dma_start3A_53] : memref<10240x128xf32, #tpu.memory_space<vmem_shared>> -> memref<640x128xf32, #tpu.memory_space<vmem_shared>>
      tpu.enqueue_dma source(%arg4 : memref<640x128xf32, #tpu.memory_space<hbm>>) target(%dma_start3A_54 : memref<640x128xf32, #tpu.memory_space<vmem_shared>>) target_semaphore(%run_scoped3A_52 : memref<!tpu.dma_semaphore, #tpu.memory_space<semaphore_mem>>)
      %dma_wait3A = arith.constant 0 : i32
      %dma_wait3A_55 = tpu.memref_slice %arg10[%mul3A_0, %dma_wait3A] : memref<10240x128xf32, #tpu.memory_space<vmem_shared>> -> memref<640x128xf32, #tpu.memory_space<vmem_shared>>
      tpu.wait_dma2 semaphore(%run_scoped3A_52 : memref<!tpu.dma_semaphore, #tpu.memory_space<semaphore_mem>>) src(%arg4 : memref<640x128xf32, #tpu.memory_space<hbm>>) dst(%dma_wait3A_55 : memref<640x128xf32, #tpu.memory_space<vmem_shared>>)
      tpu.yield
    }) : () -> ()
    %run_scoped3A_28 = arith.constant 0 : i32
    "tpu.region"() ({
      %run_scoped3A_52 = tpu.sem_alloc : memref<!tpu.dma_semaphore, #tpu.memory_space<semaphore_mem>>
      %dma_start3A_53 = arith.constant 0 : i32
      %dma_start3A_54 = arith.constant 0 : i32
      %dma_start3A_55 = tpu.memref_slice %arg3[%add3A_27, %run_scoped3A_28, %arg1, %dma_start3A_53, %dma_start3A_54] : memref<4x2x16x100x50xi32, #tpu.memory_space<hbm>> -> memref<1x1x1x100x50xi32, #tpu.memory_space<hbm>>
      %dma_start3A_56 = tpu.memref_squeeze %dma_start3A_55 : memref<1x1x1x100x50xi32, #tpu.memory_space<hbm>> -> memref<100x50xi32, #tpu.memory_space<hbm>>
      %dma_start3A_57 = arith.constant 0 : i32
      %dma_start3A_58 = arith.constant 0 : i32
      %dma_start3A_59 = tpu.memref_slice %arg3[%add3A_27, %run_scoped3A_28, %arg1, %dma_start3A_57, %dma_start3A_58] : memref<4x2x16x100x50xi32, #tpu.memory_space<hbm>> -> memref<1x1x1x100x50xi32, #tpu.memory_space<hbm>>
      %dma_start3A_60 = tpu.memref_squeeze %dma_start3A_59 : memref<1x1x1x100x50xi32, #tpu.memory_space<hbm>> -> memref<100x50xi32, #tpu.memory_space<hbm>>
      tpu.enqueue_dma source(%dma_start3A_60 : memref<100x50xi32, #tpu.memory_space<hbm>>) target(%arg6 : memref<100x50xi32, #tpu.memory_space<vmem>>) target_semaphore(%run_scoped3A_52 : memref<!tpu.dma_semaphore, #tpu.memory_space<semaphore_mem>>)
      %dma_wait3A = arith.constant 0 : i32
      %dma_wait3A_61 = arith.constant 0 : i32
      %dma_wait3A_62 = tpu.memref_slice %arg3[%add3A_27, %run_scoped3A_28, %arg1, %dma_wait3A, %dma_wait3A_61] : memref<4x2x16x100x50xi32, #tpu.memory_space<hbm>> -> memref<1x1x1x100x50xi32, #tpu.memory_space<hbm>>
      %dma_wait3A_63 = tpu.memref_squeeze %dma_wait3A_62 : memref<1x1x1x100x50xi32, #tpu.memory_space<hbm>> -> memref<100x50xi32, #tpu.memory_space<hbm>>
      %dma_wait3A_64 = arith.constant 0 : i32
      %dma_wait3A_65 = arith.constant 0 : i32
      %dma_wait3A_66 = tpu.memref_slice %arg3[%add3A_27, %run_scoped3A_28, %arg1, %dma_wait3A_64, %dma_wait3A_65] : memref<4x2x16x100x50xi32, #tpu.memory_space<hbm>> -> memref<1x1x1x100x50xi32, #tpu.memory_space<hbm>>
      %dma_wait3A_67 = tpu.memref_squeeze %dma_wait3A_66 : memref<1x1x1x100x50xi32, #tpu.memory_space<hbm>> -> memref<100x50xi32, #tpu.memory_space<hbm>>
      tpu.wait_dma2 semaphore(%run_scoped3A_52 : memref<!tpu.dma_semaphore, #tpu.memory_space<semaphore_mem>>) src(%dma_wait3A_67 : memref<100x50xi32, #tpu.memory_space<hbm>>) dst(%arg6 : memref<100x50xi32, #tpu.memory_space<vmem>>)
      tpu.yield
    }) : () -> ()
    %run_scoped3A_29 = arith.constant 1 : i32
    "tpu.region"() ({
      %run_scoped3A_52 = tpu.sem_alloc : memref<!tpu.dma_semaphore, #tpu.memory_space<semaphore_mem>>
      %dma_start3A_53 = arith.constant 0 : i32
      %dma_start3A_54 = arith.constant 0 : i32
      %dma_start3A_55 = tpu.memref_slice %arg3[%add3A_27, %run_scoped3A_29, %arg1, %dma_start3A_53, %dma_start3A_54] : memref<4x2x16x100x50xi32, #tpu.memory_space<hbm>> -> memref<1x1x1x100x50xi32, #tpu.memory_space<hbm>>
      %dma_start3A_56 = tpu.memref_squeeze %dma_start3A_55 : memref<1x1x1x100x50xi32, #tpu.memory_space<hbm>> -> memref<100x50xi32, #tpu.memory_space<hbm>>
      %dma_start3A_57 = arith.constant 0 : i32
      %dma_start3A_58 = arith.constant 0 : i32
      %dma_start3A_59 = tpu.memref_slice %arg3[%add3A_27, %run_scoped3A_29, %arg1, %dma_start3A_57, %dma_start3A_58] : memref<4x2x16x100x50xi32, #tpu.memory_space<hbm>> -> memref<1x1x1x100x50xi32, #tpu.memory_space<hbm>>
      %dma_start3A_60 = tpu.memref_squeeze %dma_start3A_59 : memref<1x1x1x100x50xi32, #tpu.memory_space<hbm>> -> memref<100x50xi32, #tpu.memory_space<hbm>>
      tpu.enqueue_dma source(%dma_start3A_60 : memref<100x50xi32, #tpu.memory_space<hbm>>) target(%arg7 : memref<100x50xi32, #tpu.memory_space<vmem>>) target_semaphore(%run_scoped3A_52 : memref<!tpu.dma_semaphore, #tpu.memory_space<semaphore_mem>>)
      %dma_wait3A = arith.constant 0 : i32
      %dma_wait3A_61 = arith.constant 0 : i32
      %dma_wait3A_62 = tpu.memref_slice %arg3[%add3A_27, %run_scoped3A_29, %arg1, %dma_wait3A, %dma_wait3A_61] : memref<4x2x16x100x50xi32, #tpu.memory_space<hbm>> -> memref<1x1x1x100x50xi32, #tpu.memory_space<hbm>>
      %dma_wait3A_63 = tpu.memref_squeeze %dma_wait3A_62 : memref<1x1x1x100x50xi32, #tpu.memory_space<hbm>> -> memref<100x50xi32, #tpu.memory_space<hbm>>
      %dma_wait3A_64 = arith.constant 0 : i32
      %dma_wait3A_65 = arith.constant 0 : i32
      %dma_wait3A_66 = tpu.memref_slice %arg3[%add3A_27, %run_scoped3A_29, %arg1, %dma_wait3A_64, %dma_wait3A_65] : memref<4x2x16x100x50xi32, #tpu.memory_space<hbm>> -> memref<1x1x1x100x50xi32, #tpu.memory_space<hbm>>
      %dma_wait3A_67 = tpu.memref_squeeze %dma_wait3A_66 : memref<1x1x1x100x50xi32, #tpu.memory_space<hbm>> -> memref<100x50xi32, #tpu.memory_space<hbm>>
      tpu.wait_dma2 semaphore(%run_scoped3A_52 : memref<!tpu.dma_semaphore, #tpu.memory_space<semaphore_mem>>) src(%dma_wait3A_67 : memref<100x50xi32, #tpu.memory_space<hbm>>) dst(%arg7 : memref<100x50xi32, #tpu.memory_space<vmem>>)
      tpu.yield
    }) : () -> ()
    %barrier3A_30 = arith.constant 0 : index
    tpu.barrier barrier_id(%barrier3A_30)
    %dma_start3A_31 = arith.constant 0 : i32
    %dma_start3A_32 = arith.constant 0 : i32
    %dma_start3A_33 = tpu.memref_slice %arg6[%dma_start3A_31, %dma_start3A_32] : memref<100x50xi32, #tpu.memory_space<vmem>> -> memref<1x50xi32, #tpu.memory_space<vmem>>
    %dma_start3A_34 = tpu.memref_squeeze %dma_start3A_33 : memref<1x50xi32, #tpu.memory_space<vmem>> -> memref<50xi32, #tpu.memory_space<vmem>>
    %dma_start3A_35 = arith.constant 0 : i32
    %dma_start3A_36 = arith.constant 0 : i32
    %dma_start3A_37 = tpu.memref_slice %arg2[%dma_start3A_35, %dma_start3A_36] : memref<10000x128xf32, #tpu.memory_space<hbm>> -> memref<10000x128xf32, #tpu.memory_space<hbm>>
    tpu.enqueue_indirect_dma source(%dma_start3A_37 : memref<10000x128xf32, #tpu.memory_space<hbm>>) target(%arg8 : memref<50x128xf32, #tpu.memory_space<vmem>>) offsets(%dma_start3A_34 : memref<50xi32, #tpu.memory_space<vmem>>) semaphore(%arg11 : memref<!tpu.dma_semaphore, #tpu.memory_space<semaphore_mem>>)
    %dma_start3A_38 = arith.constant 1 : i32
    %dma_start3A_39 = arith.constant 0 : i32
    %dma_start3A_40 = tpu.memref_slice %arg6[%dma_start3A_38, %dma_start3A_39] : memref<100x50xi32, #tpu.memory_space<vmem>> -> memref<1x50xi32, #tpu.memory_space<vmem>>
    %dma_start3A_41 = tpu.memref_squeeze %dma_start3A_40 : memref<1x50xi32, #tpu.memory_space<vmem>> -> memref<50xi32, #tpu.memory_space<vmem>>
    %dma_start3A_42 = arith.constant 0 : i32
    %dma_start3A_43 = arith.constant 0 : i32
    %dma_start3A_44 = tpu.memref_slice %arg2[%dma_start3A_42, %dma_start3A_43] : memref<10000x128xf32, #tpu.memory_space<hbm>> -> memref<10000x128xf32, #tpu.memory_space<hbm>>
    tpu.enqueue_indirect_dma source(%dma_start3A_44 : memref<10000x128xf32, #tpu.memory_space<hbm>>) target(%arg9 : memref<50x128xf32, #tpu.memory_space<vmem>>) offsets(%dma_start3A_41 : memref<50xi32, #tpu.memory_space<vmem>>) semaphore(%arg12 : memref<!tpu.dma_semaphore, #tpu.memory_space<semaphore_mem>>)
    %scan3A_45 = arith.constant 0 : i32
    %scan3A_46 = arith.constant 0 : i32
    %scan3A_47 = arith.constant 50 : i32
    %scan3A_48 = arith.addi %scan3A_46, %scan3A_47 : i32
    %scan3A_49 = arith.constant 1 : i32
    scf.for %scan3A_52 = %scan3A_46 to %scan3A_48 step %scan3A_49  : i32 {
      %mul3A_53 = arith.constant 2 : i32
      %mul3A_54 = arith.muli %scan3A_52, %mul3A_53 : i32
      %add3A_55 = arith.constant 0 : i32
      %add3A_56 = arith.addi %mul3A_54, %add3A_55 : i32
      %dma_wait3A = arith.constant 0 : i32
      %dma_wait3A_57 = tpu.memref_slice %arg6[%add3A_56, %dma_wait3A] : memref<100x50xi32, #tpu.memory_space<vmem>> -> memref<1x50xi32, #tpu.memory_space<vmem>>
      %dma_wait3A_58 = tpu.memref_squeeze %dma_wait3A_57 : memref<1x50xi32, #tpu.memory_space<vmem>> -> memref<50xi32, #tpu.memory_space<vmem>>
      %dma_wait3A_59 = arith.constant 0 : i32
      %dma_wait3A_60 = arith.constant 0 : i32
      %dma_wait3A_61 = tpu.memref_slice %arg2[%dma_wait3A_59, %dma_wait3A_60] : memref<10000x128xf32, #tpu.memory_space<hbm>> -> memref<10000x128xf32, #tpu.memory_space<hbm>>
      tpu.wait_indirect_dma semaphore(%arg11 : memref<!tpu.dma_semaphore, #tpu.memory_space<semaphore_mem>>) src(%dma_wait3A_61 : memref<10000x128xf32, #tpu.memory_space<hbm>>) dst(%arg8 : memref<50x128xf32, #tpu.memory_space<vmem>>)
      %dma_start3A_62 = arith.constant 0 : i32
      %dma_start3A_63 = tpu.memref_slice %arg7[%add3A_56, %dma_start3A_62] : memref<100x50xi32, #tpu.memory_space<vmem>> -> memref<1x50xi32, #tpu.memory_space<vmem>>
      %dma_start3A_64 = tpu.memref_squeeze %dma_start3A_63 : memref<1x50xi32, #tpu.memory_space<vmem>> -> memref<50xi32, #tpu.memory_space<vmem>>
      %dma_start3A_65 = arith.constant 0 : i32
      %dma_start3A_66 = arith.constant 0 : i32
      %dma_start3A_67 = tpu.memref_slice %arg10[%dma_start3A_65, %dma_start3A_66] : memref<10240x128xf32, #tpu.memory_space<vmem_shared>> -> memref<10240x128xf32, #tpu.memory_space<vmem_shared>>
      tpu.enqueue_indirect_dma source(%arg8 : memref<50x128xf32, #tpu.memory_space<vmem>>) target(%dma_start3A_67 : memref<10240x128xf32, #tpu.memory_space<vmem_shared>>) offsets(%dma_start3A_64 : memref<50xi32, #tpu.memory_space<vmem>>) semaphore(%arg13 : memref<!tpu.dma_semaphore, #tpu.memory_space<semaphore_mem>>) {add = true}
      %mul3A_68 = arith.constant 2 : i32
      %mul3A_69 = arith.muli %scan3A_52, %mul3A_68 : i32
      %add3A_70 = arith.constant 1 : i32
      %add3A_71 = arith.addi %mul3A_69, %add3A_70 : i32
      %dma_wait3A_72 = arith.constant 0 : i32
      %dma_wait3A_73 = tpu.memref_slice %arg6[%add3A_71, %dma_wait3A_72] : memref<100x50xi32, #tpu.memory_space<vmem>> -> memref<1x50xi32, #tpu.memory_space<vmem>>
      %dma_wait3A_74 = tpu.memref_squeeze %dma_wait3A_73 : memref<1x50xi32, #tpu.memory_space<vmem>> -> memref<50xi32, #tpu.memory_space<vmem>>
      %dma_wait3A_75 = arith.constant 0 : i32
      %dma_wait3A_76 = arith.constant 0 : i32
      %dma_wait3A_77 = tpu.memref_slice %arg2[%dma_wait3A_75, %dma_wait3A_76] : memref<10000x128xf32, #tpu.memory_space<hbm>> -> memref<10000x128xf32, #tpu.memory_space<hbm>>
      tpu.wait_indirect_dma semaphore(%arg12 : memref<!tpu.dma_semaphore, #tpu.memory_space<semaphore_mem>>) src(%dma_wait3A_77 : memref<10000x128xf32, #tpu.memory_space<hbm>>) dst(%arg9 : memref<50x128xf32, #tpu.memory_space<vmem>>)
      %dma_start3A_78 = arith.constant 0 : i32
      %dma_start3A_79 = tpu.memref_slice %arg7[%add3A_71, %dma_start3A_78] : memref<100x50xi32, #tpu.memory_space<vmem>> -> memref<1x50xi32, #tpu.memory_space<vmem>>
      %dma_start3A_80 = tpu.memref_squeeze %dma_start3A_79 : memref<1x50xi32, #tpu.memory_space<vmem>> -> memref<50xi32, #tpu.memory_space<vmem>>
      %dma_start3A_81 = arith.constant 0 : i32
      %dma_start3A_82 = arith.constant 0 : i32
      %dma_start3A_83 = tpu.memref_slice %arg10[%dma_start3A_81, %dma_start3A_82] : memref<10240x128xf32, #tpu.memory_space<vmem_shared>> -> memref<10240x128xf32, #tpu.memory_space<vmem_shared>>
      tpu.enqueue_indirect_dma source(%arg9 : memref<50x128xf32, #tpu.memory_space<vmem>>) target(%dma_start3A_83 : memref<10240x128xf32, #tpu.memory_space<vmem_shared>>) offsets(%dma_start3A_80 : memref<50xi32, #tpu.memory_space<vmem>>) semaphore(%arg14 : memref<!tpu.dma_semaphore, #tpu.memory_space<semaphore_mem>>) {add = true}
      %mul3A_84 = arith.constant 2 : i32
      %mul3A_85 = arith.muli %scan3A_52, %mul3A_84 : i32
      %add3A_86 = arith.constant 0 : i32
      %add3A_87 = arith.addi %mul3A_85, %add3A_86 : i32
      %dma_wait3A_88 = arith.constant 0 : i32
      %dma_wait3A_89 = tpu.memref_slice %arg7[%add3A_87, %dma_wait3A_88] : memref<100x50xi32, #tpu.memory_space<vmem>> -> memref<1x50xi32, #tpu.memory_space<vmem>>
      %dma_wait3A_90 = tpu.memref_squeeze %dma_wait3A_89 : memref<1x50xi32, #tpu.memory_space<vmem>> -> memref<50xi32, #tpu.memory_space<vmem>>
      %dma_wait3A_91 = arith.constant 0 : i32
      %dma_wait3A_92 = arith.constant 0 : i32
      %dma_wait3A_93 = tpu.memref_slice %arg10[%dma_wait3A_91, %dma_wait3A_92] : memref<10240x128xf32, #tpu.memory_space<vmem_shared>> -> memref<10240x128xf32, #tpu.memory_space<vmem_shared>>
      tpu.wait_indirect_dma semaphore(%arg13 : memref<!tpu.dma_semaphore, #tpu.memory_space<semaphore_mem>>) src(%arg8 : memref<50x128xf32, #tpu.memory_space<vmem>>) dst(%dma_wait3A_93 : memref<10240x128xf32, #tpu.memory_space<vmem_shared>>)
      %add3A_94 = arith.constant 2 : i32
      %add3A_95 = arith.addi %add3A_87, %add3A_94 : i32
      %lt3A = arith.constant 100 : i32
      %lt3A_96 = arith.cmpi slt, %add3A_95, %lt3A : i32
      %convert_element_type3A = arith.extui %lt3A_96 : i1 to i32
      %cond3A = arith.constant 0 : i32
      %cond3A_97 = arith.cmpi ne, %convert_element_type3A, %cond3A : i32
      scf.if %cond3A_97 {
        %add3A_115 = arith.constant 2 : i32
        %add3A_116 = arith.addi %add3A_87, %add3A_115 : i32
        %dma_start3A_117 = arith.constant 0 : i32
        %dma_start3A_118 = tpu.memref_slice %arg6[%add3A_116, %dma_start3A_117] : memref<100x50xi32, #tpu.memory_space<vmem>> -> memref<1x50xi32, #tpu.memory_space<vmem>>
        %dma_start3A_119 = tpu.memref_squeeze %dma_start3A_118 : memref<1x50xi32, #tpu.memory_space<vmem>> -> memref<50xi32, #tpu.memory_space<vmem>>
        %dma_start3A_120 = arith.constant 0 : i32
        %dma_start3A_121 = arith.constant 0 : i32
        %dma_start3A_122 = tpu.memref_slice %arg2[%dma_start3A_120, %dma_start3A_121] : memref<10000x128xf32, #tpu.memory_space<hbm>> -> memref<10000x128xf32, #tpu.memory_space<hbm>>
        tpu.enqueue_indirect_dma source(%dma_start3A_122 : memref<10000x128xf32, #tpu.memory_space<hbm>>) target(%arg8 : memref<50x128xf32, #tpu.memory_space<vmem>>) offsets(%dma_start3A_119 : memref<50xi32, #tpu.memory_space<vmem>>) semaphore(%arg11 : memref<!tpu.dma_semaphore, #tpu.memory_space<semaphore_mem>>)
      } else {
      }
      %mul3A_98 = arith.constant 2 : i32
      %mul3A_99 = arith.muli %scan3A_52, %mul3A_98 : i32
      %add3A_100 = arith.constant 1 : i32
      %add3A_101 = arith.addi %mul3A_99, %add3A_100 : i32
      %dma_wait3A_102 = arith.constant 0 : i32
      %dma_wait3A_103 = tpu.memref_slice %arg7[%add3A_101, %dma_wait3A_102] : memref<100x50xi32, #tpu.memory_space<vmem>> -> memref<1x50xi32, #tpu.memory_space<vmem>>
      %dma_wait3A_104 = tpu.memref_squeeze %dma_wait3A_103 : memref<1x50xi32, #tpu.memory_space<vmem>> -> memref<50xi32, #tpu.memory_space<vmem>>
      %dma_wait3A_105 = arith.constant 0 : i32
      %dma_wait3A_106 = arith.constant 0 : i32
      %dma_wait3A_107 = tpu.memref_slice %arg10[%dma_wait3A_105, %dma_wait3A_106] : memref<10240x128xf32, #tpu.memory_space<vmem_shared>> -> memref<10240x128xf32, #tpu.memory_space<vmem_shared>>
      tpu.wait_indirect_dma semaphore(%arg14 : memref<!tpu.dma_semaphore, #tpu.memory_space<semaphore_mem>>) src(%arg9 : memref<50x128xf32, #tpu.memory_space<vmem>>) dst(%dma_wait3A_107 : memref<10240x128xf32, #tpu.memory_space<vmem_shared>>)
      %add3A_108 = arith.constant 2 : i32
      %add3A_109 = arith.addi %add3A_101, %add3A_108 : i32
      %lt3A_110 = arith.constant 100 : i32
      %lt3A_111 = arith.cmpi slt, %add3A_109, %lt3A_110 : i32
      %convert_element_type3A_112 = arith.extui %lt3A_111 : i1 to i32
      %cond3A_113 = arith.constant 0 : i32
      %cond3A_114 = arith.cmpi ne, %convert_element_type3A_112, %cond3A_113 : i32
      scf.if %cond3A_114 {
        %add3A_115 = arith.constant 2 : i32
        %add3A_116 = arith.addi %add3A_101, %add3A_115 : i32
        %dma_start3A_117 = arith.constant 0 : i32
        %dma_start3A_118 = tpu.memref_slice %arg6[%add3A_116, %dma_start3A_117] : memref<100x50xi32, #tpu.memory_space<vmem>> -> memref<1x50xi32, #tpu.memory_space<vmem>>
        %dma_start3A_119 = tpu.memref_squeeze %dma_start3A_118 : memref<1x50xi32, #tpu.memory_space<vmem>> -> memref<50xi32, #tpu.memory_space<vmem>>
        %dma_start3A_120 = arith.constant 0 : i32
        %dma_start3A_121 = arith.constant 0 : i32
        %dma_start3A_122 = tpu.memref_slice %arg2[%dma_start3A_120, %dma_start3A_121] : memref<10000x128xf32, #tpu.memory_space<hbm>> -> memref<10000x128xf32, #tpu.memory_space<hbm>>
        tpu.enqueue_indirect_dma source(%dma_start3A_122 : memref<10000x128xf32, #tpu.memory_space<hbm>>) target(%arg9 : memref<50x128xf32, #tpu.memory_space<vmem>>) offsets(%dma_start3A_119 : memref<50xi32, #tpu.memory_space<vmem>>) semaphore(%arg12 : memref<!tpu.dma_semaphore, #tpu.memory_space<semaphore_mem>>)
      } else {
      }
    }
    %scan3A_50 = arith.constant 50 : i32
    %barrier3A_51 = arith.constant 0 : index
    tpu.barrier barrier_id(%barrier3A_51)
    "tpu.region"() ({
      %run_scoped3A_52 = tpu.sem_alloc : memref<!tpu.dma_semaphore, #tpu.memory_space<semaphore_mem>>
      %dma_start3A_53 = arith.constant 0 : i32
      %dma_start3A_54 = tpu.memref_slice %arg5[%add3A_27, %mul3A_0, %dma_start3A_53] : memref<4x10240x128xf32, #tpu.memory_space<hbm>> -> memref<1x640x128xf32, #tpu.memory_space<hbm>>
      %dma_start3A_55 = tpu.memref_squeeze %dma_start3A_54 : memref<1x640x128xf32, #tpu.memory_space<hbm>> -> memref<640x128xf32, #tpu.memory_space<hbm>>
      %dma_start3A_56 = arith.constant 0 : i32
      %dma_start3A_57 = tpu.memref_slice %arg10[%mul3A_0, %dma_start3A_56] : memref<10240x128xf32, #tpu.memory_space<vmem_shared>> -> memref<640x128xf32, #tpu.memory_space<vmem_shared>>
      tpu.enqueue_dma source(%dma_start3A_57 : memref<640x128xf32, #tpu.memory_space<vmem_shared>>) target(%dma_start3A_55 : memref<640x128xf32, #tpu.memory_space<hbm>>) target_semaphore(%run_scoped3A_52 : memref<!tpu.dma_semaphore, #tpu.memory_space<semaphore_mem>>)
      %dma_wait3A = arith.constant 0 : i32
      %dma_wait3A_58 = tpu.memref_slice %arg5[%add3A_27, %mul3A_0, %dma_wait3A] : memref<4x10240x128xf32, #tpu.memory_space<hbm>> -> memref<1x640x128xf32, #tpu.memory_space<hbm>>
      %dma_wait3A_59 = tpu.memref_squeeze %dma_wait3A_58 : memref<1x640x128xf32, #tpu.memory_space<hbm>> -> memref<640x128xf32, #tpu.memory_space<hbm>>
      %dma_wait3A_60 = arith.constant 0 : i32
      %dma_wait3A_61 = tpu.memref_slice %arg10[%mul3A_0, %dma_wait3A_60] : memref<10240x128xf32, #tpu.memory_space<vmem_shared>> -> memref<640x128xf32, #tpu.memory_space<vmem_shared>>
      tpu.wait_dma2 semaphore(%run_scoped3A_52 : memref<!tpu.dma_semaphore, #tpu.memory_space<semaphore_mem>>) src(%dma_wait3A_61 : memref<640x128xf32, #tpu.memory_space<vmem_shared>>) dst(%dma_wait3A_59 : memref<640x128xf32, #tpu.memory_space<hbm>>)
      tpu.yield
    }) : () -> ()
    return
  }
}

#map = affine_map<(d0, d1) -> (0, 0)>
#map1 = affine_map<(d0, d1) -> (0, 0, 0, 0, 0)>
#map2 = affine_map<(d0, d1) -> (0, 0, 0)>
module attributes {stable_mosaic.version = 14 : i64} {
  func.func @_sc_agg_body(%arg0: i32, %arg1: i32, %arg2: memref<10000x128xf32, #tpu.memory_space<hbm>>, %arg3: memref<4x2x16x100x50xi32, #tpu.memory_space<hbm>>, %arg4: memref<640x128xf32, #tpu.memory_space<hbm>>, %arg5: memref<4x10240x128xf32, #tpu.memory_space<hbm>>, %arg6: memref<100x50xi32, #tpu.memory_space<vmem>>, %arg7: memref<100x50xi32, #tpu.memory_space<vmem>>, %arg8: memref<50x128xf32, #tpu.memory_space<vmem>>, %arg9: memref<50x128xf32, #tpu.memory_space<vmem>>, %arg10: memref<10240x128xf32, #tpu.memory_space<vmem_shared>>, %arg11: memref<!tpu.dma_semaphore, #tpu.memory_space<semaphore_mem>>, %arg12: memref<!tpu.dma_semaphore, #tpu.memory_space<semaphore_mem>>, %arg13: memref<!tpu.dma_semaphore, #tpu.memory_space<semaphore_mem>>, %arg14: memref<!tpu.dma_semaphore, #tpu.memory_space<semaphore_mem>>) attributes {dimension_semantics = [#tpu.dimension_semantics<core_parallel>, #tpu.dimension_semantics<subcore_parallel>], iteration_bounds = array<i64: 2, 16>, scalar_prefetch = 0 : i64, scratch_operands = 9 : i64, tpu.core_type = #tpu.core_type<sc_vector_subcore>, window_params = [{transform_indices = #map}, {transform_indices = #map1}, {transform_indices = #map}, {transform_indices = #map2}]} {
    %mul3A = arith.constant 640 : i32
    %mul3A_0 = arith.muli %arg1, %mul3A : i32
    %mul3A_1 = arith.constant 2 : i32
    %mul3A_2 = arith.muli %arg0, %mul3A_1 : i32
    %add3A = arith.constant 0 : i32
    %add3A_3 = arith.addi %mul3A_2, %add3A : i32
    "tpu.region"() ({
      %run_scoped3A_52 = tpu.sem_alloc : memref<!tpu.dma_semaphore, #tpu.memory_space<semaphore_mem>>
      %dma_start3A_53 = arith.constant 0 : i32
      %dma_start3A_54 = tpu.memref_slice %arg10[%mul3A_0, %dma_start3A_53] : memref<10240x128xf32, #tpu.memory_space<vmem_shared>> -> memref<640x128xf32, #tpu.memory_space<vmem_shared>>
      tpu.enqueue_dma source(%arg4 : memref<640x128xf32, #tpu.memory_space<hbm>>) target(%dma_start3A_54 : memref<640x128xf32, #tpu.memory_space<vmem_shared>>) target_semaphore(%run_scoped3A_52 : memref<!tpu.dma_semaphore, #tpu.memory_space<semaphore_mem>>)
      %dma_wait3A = arith.constant 0 : i32
      %dma_wait3A_55 = tpu.memref_slice %arg10[%mul3A_0, %dma_wait3A] : memref<10240x128xf32, #tpu.memory_space<vmem_shared>> -> memref<640x128xf32, #tpu.memory_space<vmem_shared>>
      tpu.wait_dma2 semaphore(%run_scoped3A_52 : memref<!tpu.dma_semaphore, #tpu.memory_space<semaphore_mem>>) src(%arg4 : memref<640x128xf32, #tpu.memory_space<hbm>>) dst(%dma_wait3A_55 : memref<640x128xf32, #tpu.memory_space<vmem_shared>>)
      tpu.yield
    }) : () -> ()
    %run_scoped3A = arith.constant 0 : i32
    "tpu.region"() ({
      %run_scoped3A_52 = tpu.sem_alloc : memref<!tpu.dma_semaphore, #tpu.memory_space<semaphore_mem>>
      %dma_start3A_53 = arith.constant 0 : i32
      %dma_start3A_54 = arith.constant 0 : i32
      %dma_start3A_55 = tpu.memref_slice %arg3[%add3A_3, %run_scoped3A, %arg1, %dma_start3A_53, %dma_start3A_54] : memref<4x2x16x100x50xi32, #tpu.memory_space<hbm>> -> memref<1x1x1x100x50xi32, #tpu.memory_space<hbm>>
      %dma_start3A_56 = tpu.memref_squeeze %dma_start3A_55 : memref<1x1x1x100x50xi32, #tpu.memory_space<hbm>> -> memref<100x50xi32, #tpu.memory_space<hbm>>
      %dma_start3A_57 = arith.constant 0 : i32
      %dma_start3A_58 = arith.constant 0 : i32
      %dma_start3A_59 = tpu.memref_slice %arg3[%add3A_3, %run_scoped3A, %arg1, %dma_start3A_57, %dma_start3A_58] : memref<4x2x16x100x50xi32, #tpu.memory_space<hbm>> -> memref<1x1x1x100x50xi32, #tpu.memory_space<hbm>>
      %dma_start3A_60 = tpu.memref_squeeze %dma_start3A_59 : memref<1x1x1x100x50xi32, #tpu.memory_space<hbm>> -> memref<100x50xi32, #tpu.memory_space<hbm>>
      tpu.enqueue_dma source(%dma_start3A_60 : memref<100x50xi32, #tpu.memory_space<hbm>>) target(%arg6 : memref<100x50xi32, #tpu.memory_space<vmem>>) target_semaphore(%run_scoped3A_52 : memref<!tpu.dma_semaphore, #tpu.memory_space<semaphore_mem>>)
      %dma_wait3A = arith.constant 0 : i32
      %dma_wait3A_61 = arith.constant 0 : i32
      %dma_wait3A_62 = tpu.memref_slice %arg3[%add3A_3, %run_scoped3A, %arg1, %dma_wait3A, %dma_wait3A_61] : memref<4x2x16x100x50xi32, #tpu.memory_space<hbm>> -> memref<1x1x1x100x50xi32, #tpu.memory_space<hbm>>
      %dma_wait3A_63 = tpu.memref_squeeze %dma_wait3A_62 : memref<1x1x1x100x50xi32, #tpu.memory_space<hbm>> -> memref<100x50xi32, #tpu.memory_space<hbm>>
      %dma_wait3A_64 = arith.constant 0 : i32
      %dma_wait3A_65 = arith.constant 0 : i32
      %dma_wait3A_66 = tpu.memref_slice %arg3[%add3A_3, %run_scoped3A, %arg1, %dma_wait3A_64, %dma_wait3A_65] : memref<4x2x16x100x50xi32, #tpu.memory_space<hbm>> -> memref<1x1x1x100x50xi32, #tpu.memory_space<hbm>>
      %dma_wait3A_67 = tpu.memref_squeeze %dma_wait3A_66 : memref<1x1x1x100x50xi32, #tpu.memory_space<hbm>> -> memref<100x50xi32, #tpu.memory_space<hbm>>
      tpu.wait_dma2 semaphore(%run_scoped3A_52 : memref<!tpu.dma_semaphore, #tpu.memory_space<semaphore_mem>>) src(%dma_wait3A_67 : memref<100x50xi32, #tpu.memory_space<hbm>>) dst(%arg6 : memref<100x50xi32, #tpu.memory_space<vmem>>)
      tpu.yield
    }) : () -> ()
    %run_scoped3A_4 = arith.constant 1 : i32
    "tpu.region"() ({
      %run_scoped3A_52 = tpu.sem_alloc : memref<!tpu.dma_semaphore, #tpu.memory_space<semaphore_mem>>
      %dma_start3A_53 = arith.constant 0 : i32
      %dma_start3A_54 = arith.constant 0 : i32
      %dma_start3A_55 = tpu.memref_slice %arg3[%add3A_3, %run_scoped3A_4, %arg1, %dma_start3A_53, %dma_start3A_54] : memref<4x2x16x100x50xi32, #tpu.memory_space<hbm>> -> memref<1x1x1x100x50xi32, #tpu.memory_space<hbm>>
      %dma_start3A_56 = tpu.memref_squeeze %dma_start3A_55 : memref<1x1x1x100x50xi32, #tpu.memory_space<hbm>> -> memref<100x50xi32, #tpu.memory_space<hbm>>
      %dma_start3A_57 = arith.constant 0 : i32
      %dma_start3A_58 = arith.constant 0 : i32
      %dma_start3A_59 = tpu.memref_slice %arg3[%add3A_3, %run_scoped3A_4, %arg1, %dma_start3A_57, %dma_start3A_58] : memref<4x2x16x100x50xi32, #tpu.memory_space<hbm>> -> memref<1x1x1x100x50xi32, #tpu.memory_space<hbm>>
      %dma_start3A_60 = tpu.memref_squeeze %dma_start3A_59 : memref<1x1x1x100x50xi32, #tpu.memory_space<hbm>> -> memref<100x50xi32, #tpu.memory_space<hbm>>
      tpu.enqueue_dma source(%dma_start3A_60 : memref<100x50xi32, #tpu.memory_space<hbm>>) target(%arg7 : memref<100x50xi32, #tpu.memory_space<vmem>>) target_semaphore(%run_scoped3A_52 : memref<!tpu.dma_semaphore, #tpu.memory_space<semaphore_mem>>)
      %dma_wait3A = arith.constant 0 : i32
      %dma_wait3A_61 = arith.constant 0 : i32
      %dma_wait3A_62 = tpu.memref_slice %arg3[%add3A_3, %run_scoped3A_4, %arg1, %dma_wait3A, %dma_wait3A_61] : memref<4x2x16x100x50xi32, #tpu.memory_space<hbm>> -> memref<1x1x1x100x50xi32, #tpu.memory_space<hbm>>
      %dma_wait3A_63 = tpu.memref_squeeze %dma_wait3A_62 : memref<1x1x1x100x50xi32, #tpu.memory_space<hbm>> -> memref<100x50xi32, #tpu.memory_space<hbm>>
      %dma_wait3A_64 = arith.constant 0 : i32
      %dma_wait3A_65 = arith.constant 0 : i32
      %dma_wait3A_66 = tpu.memref_slice %arg3[%add3A_3, %run_scoped3A_4, %arg1, %dma_wait3A_64, %dma_wait3A_65] : memref<4x2x16x100x50xi32, #tpu.memory_space<hbm>> -> memref<1x1x1x100x50xi32, #tpu.memory_space<hbm>>
      %dma_wait3A_67 = tpu.memref_squeeze %dma_wait3A_66 : memref<1x1x1x100x50xi32, #tpu.memory_space<hbm>> -> memref<100x50xi32, #tpu.memory_space<hbm>>
      tpu.wait_dma2 semaphore(%run_scoped3A_52 : memref<!tpu.dma_semaphore, #tpu.memory_space<semaphore_mem>>) src(%dma_wait3A_67 : memref<100x50xi32, #tpu.memory_space<hbm>>) dst(%arg7 : memref<100x50xi32, #tpu.memory_space<vmem>>)
      tpu.yield
    }) : () -> ()
    %barrier3A = arith.constant 0 : index
    tpu.barrier barrier_id(%barrier3A)
    %dma_start3A = arith.constant 0 : i32
    %dma_start3A_5 = arith.constant 0 : i32
    %dma_start3A_6 = tpu.memref_slice %arg6[%dma_start3A, %dma_start3A_5] : memref<100x50xi32, #tpu.memory_space<vmem>> -> memref<1x50xi32, #tpu.memory_space<vmem>>
    %dma_start3A_7 = tpu.memref_squeeze %dma_start3A_6 : memref<1x50xi32, #tpu.memory_space<vmem>> -> memref<50xi32, #tpu.memory_space<vmem>>
    %dma_start3A_8 = arith.constant 0 : i32
    %dma_start3A_9 = arith.constant 0 : i32
    %dma_start3A_10 = tpu.memref_slice %arg2[%dma_start3A_8, %dma_start3A_9] : memref<10000x128xf32, #tpu.memory_space<hbm>> -> memref<10000x128xf32, #tpu.memory_space<hbm>>
    tpu.enqueue_indirect_dma source(%dma_start3A_10 : memref<10000x128xf32, #tpu.memory_space<hbm>>) target(%arg8 : memref<50x128xf32, #tpu.memory_space<vmem>>) offsets(%dma_start3A_7 : memref<50xi32, #tpu.memory_space<vmem>>) semaphore(%arg11 : memref<!tpu.dma_semaphore, #tpu.memory_space<semaphore_mem>>)
    %dma_start3A_11 = arith.constant 1 : i32
    %dma_start3A_12 = arith.constant 0 : i32
    %dma_start3A_13 = tpu.memref_slice %arg6[%dma_start3A_11, %dma_start3A_12] : memref<100x50xi32, #tpu.memory_space<vmem>> -> memref<1x50xi32, #tpu.memory_space<vmem>>
    %dma_start3A_14 = tpu.memref_squeeze %dma_start3A_13 : memref<1x50xi32, #tpu.memory_space<vmem>> -> memref<50xi32, #tpu.memory_space<vmem>>
    %dma_start3A_15 = arith.constant 0 : i32
    %dma_start3A_16 = arith.constant 0 : i32
    %dma_start3A_17 = tpu.memref_slice %arg2[%dma_start3A_15, %dma_start3A_16] : memref<10000x128xf32, #tpu.memory_space<hbm>> -> memref<10000x128xf32, #tpu.memory_space<hbm>>
    tpu.enqueue_indirect_dma source(%dma_start3A_17 : memref<10000x128xf32, #tpu.memory_space<hbm>>) target(%arg9 : memref<50x128xf32, #tpu.memory_space<vmem>>) offsets(%dma_start3A_14 : memref<50xi32, #tpu.memory_space<vmem>>) semaphore(%arg12 : memref<!tpu.dma_semaphore, #tpu.memory_space<semaphore_mem>>)
    %scan3A = arith.constant 0 : i32
    %scan3A_18 = arith.constant 0 : i32
    %scan3A_19 = arith.constant 50 : i32
    %scan3A_20 = arith.addi %scan3A_18, %scan3A_19 : i32
    %scan3A_21 = arith.constant 1 : i32
    scf.for %scan3A_52 = %scan3A_18 to %scan3A_20 step %scan3A_21  : i32 {
      %mul3A_53 = arith.constant 2 : i32
      %mul3A_54 = arith.muli %scan3A_52, %mul3A_53 : i32
      %add3A_55 = arith.constant 0 : i32
      %add3A_56 = arith.addi %mul3A_54, %add3A_55 : i32
      %dma_wait3A = arith.constant 0 : i32
      %dma_wait3A_57 = tpu.memref_slice %arg6[%add3A_56, %dma_wait3A] : memref<100x50xi32, #tpu.memory_space<vmem>> -> memref<1x50xi32, #tpu.memory_space<vmem>>
      %dma_wait3A_58 = tpu.memref_squeeze %dma_wait3A_57 : memref<1x50xi32, #tpu.memory_space<vmem>> -> memref<50xi32, #tpu.memory_space<vmem>>
      %dma_wait3A_59 = arith.constant 0 : i32
      %dma_wait3A_60 = arith.constant 0 : i32
      %dma_wait3A_61 = tpu.memref_slice %arg2[%dma_wait3A_59, %dma_wait3A_60] : memref<10000x128xf32, #tpu.memory_space<hbm>> -> memref<10000x128xf32, #tpu.memory_space<hbm>>
      tpu.wait_indirect_dma semaphore(%arg11 : memref<!tpu.dma_semaphore, #tpu.memory_space<semaphore_mem>>) src(%dma_wait3A_61 : memref<10000x128xf32, #tpu.memory_space<hbm>>) dst(%arg8 : memref<50x128xf32, #tpu.memory_space<vmem>>)
      %dma_start3A_62 = arith.constant 0 : i32
      %dma_start3A_63 = tpu.memref_slice %arg7[%add3A_56, %dma_start3A_62] : memref<100x50xi32, #tpu.memory_space<vmem>> -> memref<1x50xi32, #tpu.memory_space<vmem>>
      %dma_start3A_64 = tpu.memref_squeeze %dma_start3A_63 : memref<1x50xi32, #tpu.memory_space<vmem>> -> memref<50xi32, #tpu.memory_space<vmem>>
      %dma_start3A_65 = arith.constant 0 : i32
      %dma_start3A_66 = arith.constant 0 : i32
      %dma_start3A_67 = tpu.memref_slice %arg10[%dma_start3A_65, %dma_start3A_66] : memref<10240x128xf32, #tpu.memory_space<vmem_shared>> -> memref<10240x128xf32, #tpu.memory_space<vmem_shared>>
      tpu.enqueue_indirect_dma source(%arg8 : memref<50x128xf32, #tpu.memory_space<vmem>>) target(%dma_start3A_67 : memref<10240x128xf32, #tpu.memory_space<vmem_shared>>) offsets(%dma_start3A_64 : memref<50xi32, #tpu.memory_space<vmem>>) semaphore(%arg13 : memref<!tpu.dma_semaphore, #tpu.memory_space<semaphore_mem>>) {add = true}
      %mul3A_68 = arith.constant 2 : i32
      %mul3A_69 = arith.muli %scan3A_52, %mul3A_68 : i32
      %add3A_70 = arith.constant 1 : i32
      %add3A_71 = arith.addi %mul3A_69, %add3A_70 : i32
      %dma_wait3A_72 = arith.constant 0 : i32
      %dma_wait3A_73 = tpu.memref_slice %arg6[%add3A_71, %dma_wait3A_72] : memref<100x50xi32, #tpu.memory_space<vmem>> -> memref<1x50xi32, #tpu.memory_space<vmem>>
      %dma_wait3A_74 = tpu.memref_squeeze %dma_wait3A_73 : memref<1x50xi32, #tpu.memory_space<vmem>> -> memref<50xi32, #tpu.memory_space<vmem>>
      %dma_wait3A_75 = arith.constant 0 : i32
      %dma_wait3A_76 = arith.constant 0 : i32
      %dma_wait3A_77 = tpu.memref_slice %arg2[%dma_wait3A_75, %dma_wait3A_76] : memref<10000x128xf32, #tpu.memory_space<hbm>> -> memref<10000x128xf32, #tpu.memory_space<hbm>>
      tpu.wait_indirect_dma semaphore(%arg12 : memref<!tpu.dma_semaphore, #tpu.memory_space<semaphore_mem>>) src(%dma_wait3A_77 : memref<10000x128xf32, #tpu.memory_space<hbm>>) dst(%arg9 : memref<50x128xf32, #tpu.memory_space<vmem>>)
      %dma_start3A_78 = arith.constant 0 : i32
      %dma_start3A_79 = tpu.memref_slice %arg7[%add3A_71, %dma_start3A_78] : memref<100x50xi32, #tpu.memory_space<vmem>> -> memref<1x50xi32, #tpu.memory_space<vmem>>
      %dma_start3A_80 = tpu.memref_squeeze %dma_start3A_79 : memref<1x50xi32, #tpu.memory_space<vmem>> -> memref<50xi32, #tpu.memory_space<vmem>>
      %dma_start3A_81 = arith.constant 0 : i32
      %dma_start3A_82 = arith.constant 0 : i32
      %dma_start3A_83 = tpu.memref_slice %arg10[%dma_start3A_81, %dma_start3A_82] : memref<10240x128xf32, #tpu.memory_space<vmem_shared>> -> memref<10240x128xf32, #tpu.memory_space<vmem_shared>>
      tpu.enqueue_indirect_dma source(%arg9 : memref<50x128xf32, #tpu.memory_space<vmem>>) target(%dma_start3A_83 : memref<10240x128xf32, #tpu.memory_space<vmem_shared>>) offsets(%dma_start3A_80 : memref<50xi32, #tpu.memory_space<vmem>>) semaphore(%arg14 : memref<!tpu.dma_semaphore, #tpu.memory_space<semaphore_mem>>) {add = true}
      %mul3A_84 = arith.constant 2 : i32
      %mul3A_85 = arith.muli %scan3A_52, %mul3A_84 : i32
      %add3A_86 = arith.constant 0 : i32
      %add3A_87 = arith.addi %mul3A_85, %add3A_86 : i32
      %dma_wait3A_88 = arith.constant 0 : i32
      %dma_wait3A_89 = tpu.memref_slice %arg7[%add3A_87, %dma_wait3A_88] : memref<100x50xi32, #tpu.memory_space<vmem>> -> memref<1x50xi32, #tpu.memory_space<vmem>>
      %dma_wait3A_90 = tpu.memref_squeeze %dma_wait3A_89 : memref<1x50xi32, #tpu.memory_space<vmem>> -> memref<50xi32, #tpu.memory_space<vmem>>
      %dma_wait3A_91 = arith.constant 0 : i32
      %dma_wait3A_92 = arith.constant 0 : i32
      %dma_wait3A_93 = tpu.memref_slice %arg10[%dma_wait3A_91, %dma_wait3A_92] : memref<10240x128xf32, #tpu.memory_space<vmem_shared>> -> memref<10240x128xf32, #tpu.memory_space<vmem_shared>>
      tpu.wait_indirect_dma semaphore(%arg13 : memref<!tpu.dma_semaphore, #tpu.memory_space<semaphore_mem>>) src(%arg8 : memref<50x128xf32, #tpu.memory_space<vmem>>) dst(%dma_wait3A_93 : memref<10240x128xf32, #tpu.memory_space<vmem_shared>>)
      %add3A_94 = arith.constant 2 : i32
      %add3A_95 = arith.addi %add3A_87, %add3A_94 : i32
      %lt3A = arith.constant 100 : i32
      %lt3A_96 = arith.cmpi slt, %add3A_95, %lt3A : i32
      %convert_element_type3A = arith.extui %lt3A_96 : i1 to i32
      %cond3A = arith.constant 0 : i32
      %cond3A_97 = arith.cmpi ne, %convert_element_type3A, %cond3A : i32
      scf.if %cond3A_97 {
        %add3A_115 = arith.constant 2 : i32
        %add3A_116 = arith.addi %add3A_87, %add3A_115 : i32
        %dma_start3A_117 = arith.constant 0 : i32
        %dma_start3A_118 = tpu.memref_slice %arg6[%add3A_116, %dma_start3A_117] : memref<100x50xi32, #tpu.memory_space<vmem>> -> memref<1x50xi32, #tpu.memory_space<vmem>>
        %dma_start3A_119 = tpu.memref_squeeze %dma_start3A_118 : memref<1x50xi32, #tpu.memory_space<vmem>> -> memref<50xi32, #tpu.memory_space<vmem>>
        %dma_start3A_120 = arith.constant 0 : i32
        %dma_start3A_121 = arith.constant 0 : i32
        %dma_start3A_122 = tpu.memref_slice %arg2[%dma_start3A_120, %dma_start3A_121] : memref<10000x128xf32, #tpu.memory_space<hbm>> -> memref<10000x128xf32, #tpu.memory_space<hbm>>
        tpu.enqueue_indirect_dma source(%dma_start3A_122 : memref<10000x128xf32, #tpu.memory_space<hbm>>) target(%arg8 : memref<50x128xf32, #tpu.memory_space<vmem>>) offsets(%dma_start3A_119 : memref<50xi32, #tpu.memory_space<vmem>>) semaphore(%arg11 : memref<!tpu.dma_semaphore, #tpu.memory_space<semaphore_mem>>)
      } else {
      }
      %mul3A_98 = arith.constant 2 : i32
      %mul3A_99 = arith.muli %scan3A_52, %mul3A_98 : i32
      %add3A_100 = arith.constant 1 : i32
      %add3A_101 = arith.addi %mul3A_99, %add3A_100 : i32
      %dma_wait3A_102 = arith.constant 0 : i32
      %dma_wait3A_103 = tpu.memref_slice %arg7[%add3A_101, %dma_wait3A_102] : memref<100x50xi32, #tpu.memory_space<vmem>> -> memref<1x50xi32, #tpu.memory_space<vmem>>
      %dma_wait3A_104 = tpu.memref_squeeze %dma_wait3A_103 : memref<1x50xi32, #tpu.memory_space<vmem>> -> memref<50xi32, #tpu.memory_space<vmem>>
      %dma_wait3A_105 = arith.constant 0 : i32
      %dma_wait3A_106 = arith.constant 0 : i32
      %dma_wait3A_107 = tpu.memref_slice %arg10[%dma_wait3A_105, %dma_wait3A_106] : memref<10240x128xf32, #tpu.memory_space<vmem_shared>> -> memref<10240x128xf32, #tpu.memory_space<vmem_shared>>
      tpu.wait_indirect_dma semaphore(%arg14 : memref<!tpu.dma_semaphore, #tpu.memory_space<semaphore_mem>>) src(%arg9 : memref<50x128xf32, #tpu.memory_space<vmem>>) dst(%dma_wait3A_107 : memref<10240x128xf32, #tpu.memory_space<vmem_shared>>)
      %add3A_108 = arith.constant 2 : i32
      %add3A_109 = arith.addi %add3A_101, %add3A_108 : i32
      %lt3A_110 = arith.constant 100 : i32
      %lt3A_111 = arith.cmpi slt, %add3A_109, %lt3A_110 : i32
      %convert_element_type3A_112 = arith.extui %lt3A_111 : i1 to i32
      %cond3A_113 = arith.constant 0 : i32
      %cond3A_114 = arith.cmpi ne, %convert_element_type3A_112, %cond3A_113 : i32
      scf.if %cond3A_114 {
        %add3A_115 = arith.constant 2 : i32
        %add3A_116 = arith.addi %add3A_101, %add3A_115 : i32
        %dma_start3A_117 = arith.constant 0 : i32
        %dma_start3A_118 = tpu.memref_slice %arg6[%add3A_116, %dma_start3A_117] : memref<100x50xi32, #tpu.memory_space<vmem>> -> memref<1x50xi32, #tpu.memory_space<vmem>>
        %dma_start3A_119 = tpu.memref_squeeze %dma_start3A_118 : memref<1x50xi32, #tpu.memory_space<vmem>> -> memref<50xi32, #tpu.memory_space<vmem>>
        %dma_start3A_120 = arith.constant 0 : i32
        %dma_start3A_121 = arith.constant 0 : i32
        %dma_start3A_122 = tpu.memref_slice %arg2[%dma_start3A_120, %dma_start3A_121] : memref<10000x128xf32, #tpu.memory_space<hbm>> -> memref<10000x128xf32, #tpu.memory_space<hbm>>
        tpu.enqueue_indirect_dma source(%dma_start3A_122 : memref<10000x128xf32, #tpu.memory_space<hbm>>) target(%arg9 : memref<50x128xf32, #tpu.memory_space<vmem>>) offsets(%dma_start3A_119 : memref<50xi32, #tpu.memory_space<vmem>>) semaphore(%arg12 : memref<!tpu.dma_semaphore, #tpu.memory_space<semaphore_mem>>)
      } else {
      }
    }
    %scan3A_22 = arith.constant 50 : i32
    %barrier3A_23 = arith.constant 0 : index
    tpu.barrier barrier_id(%barrier3A_23)
    "tpu.region"() ({
      %run_scoped3A_52 = tpu.sem_alloc : memref<!tpu.dma_semaphore, #tpu.memory_space<semaphore_mem>>
      %dma_start3A_53 = arith.constant 0 : i32
      %dma_start3A_54 = tpu.memref_slice %arg5[%add3A_3, %mul3A_0, %dma_start3A_53] : memref<4x10240x128xf32, #tpu.memory_space<hbm>> -> memref<1x640x128xf32, #tpu.memory_space<hbm>>
      %dma_start3A_55 = tpu.memref_squeeze %dma_start3A_54 : memref<1x640x128xf32, #tpu.memory_space<hbm>> -> memref<640x128xf32, #tpu.memory_space<hbm>>
      %dma_start3A_56 = arith.constant 0 : i32
      %dma_start3A_57 = tpu.memref_slice %arg10[%mul3A_0, %dma_start3A_56] : memref<10240x128xf32, #tpu.memory_space<vmem_shared>> -> memref<640x128xf32, #tpu.memory_space<vmem_shared>>
      tpu.enqueue_dma source(%dma_start3A_57 : memref<640x128xf32, #tpu.memory_space<vmem_shared>>) target(%dma_start3A_55 : memref<640x128xf32, #tpu.memory_space<hbm>>) target_semaphore(%run_scoped3A_52 : memref<!tpu.dma_semaphore, #tpu.memory_space<semaphore_mem>>)
      %dma_wait3A = arith.constant 0 : i32
      %dma_wait3A_58 = tpu.memref_slice %arg5[%add3A_3, %mul3A_0, %dma_wait3A] : memref<4x10240x128xf32, #tpu.memory_space<hbm>> -> memref<1x640x128xf32, #tpu.memory_space<hbm>>
      %dma_wait3A_59 = tpu.memref_squeeze %dma_wait3A_58 : memref<1x640x128xf32, #tpu.memory_space<hbm>> -> memref<640x128xf32, #tpu.memory_space<hbm>>
      %dma_wait3A_60 = arith.constant 0 : i32
      %dma_wait3A_61 = tpu.memref_slice %arg10[%mul3A_0, %dma_wait3A_60] : memref<10240x128xf32, #tpu.memory_space<vmem_shared>> -> memref<640x128xf32, #tpu.memory_space<vmem_shared>>
      tpu.wait_dma2 semaphore(%run_scoped3A_52 : memref<!tpu.dma_semaphore, #tpu.memory_space<semaphore_mem>>) src(%dma_wait3A_61 : memref<640x128xf32, #tpu.memory_space<vmem_shared>>) dst(%dma_wait3A_59 : memref<640x128xf32, #tpu.memory_space<hbm>>)
      tpu.yield
    }) : () -> ()
    %mul3A_24 = arith.constant 2 : i32
    %mul3A_25 = arith.muli %arg0, %mul3A_24 : i32
    %add3A_26 = arith.constant 1 : i32
    %add3A_27 = arith.addi %mul3A_25, %add3A_26 : i32
    "tpu.region"() ({
      %run_scoped3A_52 = tpu.sem_alloc : memref<!tpu.dma_semaphore, #tpu.memory_space<semaphore_mem>>
      %dma_start3A_53 = arith.constant 0 : i32
      %dma_start3A_54 = tpu.memref_slice %arg10[%mul3A_0, %dma_start3A_53] : memref<10240x128xf32, #tpu.memory_space<vmem_shared>> -> memref<640x128xf32, #tpu.memory_space<vmem_shared>>
      tpu.enqueue_dma source(%arg4 : memref<640x128xf32, #tpu.memory_space<hbm>>) target(%dma_start3A_54 : memref<640x128xf32, #tpu.memory_space<vmem_shared>>) target_semaphore(%run_scoped3A_52 : memref<!tpu.dma_semaphore, #tpu.memory_space<semaphore_mem>>)
      %dma_wait3A = arith.constant 0 : i32
      %dma_wait3A_55 = tpu.memref_slice %arg10[%mul3A_0, %dma_wait3A] : memref<10240x128xf32, #tpu.memory_space<vmem_shared>> -> memref<640x128xf32, #tpu.memory_space<vmem_shared>>
      tpu.wait_dma2 semaphore(%run_scoped3A_52 : memref<!tpu.dma_semaphore, #tpu.memory_space<semaphore_mem>>) src(%arg4 : memref<640x128xf32, #tpu.memory_space<hbm>>) dst(%dma_wait3A_55 : memref<640x128xf32, #tpu.memory_space<vmem_shared>>)
      tpu.yield
    }) : () -> ()
    %run_scoped3A_28 = arith.constant 0 : i32
    "tpu.region"() ({
      %run_scoped3A_52 = tpu.sem_alloc : memref<!tpu.dma_semaphore, #tpu.memory_space<semaphore_mem>>
      %dma_start3A_53 = arith.constant 0 : i32
      %dma_start3A_54 = arith.constant 0 : i32
      %dma_start3A_55 = tpu.memref_slice %arg3[%add3A_27, %run_scoped3A_28, %arg1, %dma_start3A_53, %dma_start3A_54] : memref<4x2x16x100x50xi32, #tpu.memory_space<hbm>> -> memref<1x1x1x100x50xi32, #tpu.memory_space<hbm>>
      %dma_start3A_56 = tpu.memref_squeeze %dma_start3A_55 : memref<1x1x1x100x50xi32, #tpu.memory_space<hbm>> -> memref<100x50xi32, #tpu.memory_space<hbm>>
      %dma_start3A_57 = arith.constant 0 : i32
      %dma_start3A_58 = arith.constant 0 : i32
      %dma_start3A_59 = tpu.memref_slice %arg3[%add3A_27, %run_scoped3A_28, %arg1, %dma_start3A_57, %dma_start3A_58] : memref<4x2x16x100x50xi32, #tpu.memory_space<hbm>> -> memref<1x1x1x100x50xi32, #tpu.memory_space<hbm>>
      %dma_start3A_60 = tpu.memref_squeeze %dma_start3A_59 : memref<1x1x1x100x50xi32, #tpu.memory_space<hbm>> -> memref<100x50xi32, #tpu.memory_space<hbm>>
      tpu.enqueue_dma source(%dma_start3A_60 : memref<100x50xi32, #tpu.memory_space<hbm>>) target(%arg6 : memref<100x50xi32, #tpu.memory_space<vmem>>) target_semaphore(%run_scoped3A_52 : memref<!tpu.dma_semaphore, #tpu.memory_space<semaphore_mem>>)
      %dma_wait3A = arith.constant 0 : i32
      %dma_wait3A_61 = arith.constant 0 : i32
      %dma_wait3A_62 = tpu.memref_slice %arg3[%add3A_27, %run_scoped3A_28, %arg1, %dma_wait3A, %dma_wait3A_61] : memref<4x2x16x100x50xi32, #tpu.memory_space<hbm>> -> memref<1x1x1x100x50xi32, #tpu.memory_space<hbm>>
      %dma_wait3A_63 = tpu.memref_squeeze %dma_wait3A_62 : memref<1x1x1x100x50xi32, #tpu.memory_space<hbm>> -> memref<100x50xi32, #tpu.memory_space<hbm>>
      %dma_wait3A_64 = arith.constant 0 : i32
      %dma_wait3A_65 = arith.constant 0 : i32
      %dma_wait3A_66 = tpu.memref_slice %arg3[%add3A_27, %run_scoped3A_28, %arg1, %dma_wait3A_64, %dma_wait3A_65] : memref<4x2x16x100x50xi32, #tpu.memory_space<hbm>> -> memref<1x1x1x100x50xi32, #tpu.memory_space<hbm>>
      %dma_wait3A_67 = tpu.memref_squeeze %dma_wait3A_66 : memref<1x1x1x100x50xi32, #tpu.memory_space<hbm>> -> memref<100x50xi32, #tpu.memory_space<hbm>>
      tpu.wait_dma2 semaphore(%run_scoped3A_52 : memref<!tpu.dma_semaphore, #tpu.memory_space<semaphore_mem>>) src(%dma_wait3A_67 : memref<100x50xi32, #tpu.memory_space<hbm>>) dst(%arg6 : memref<100x50xi32, #tpu.memory_space<vmem>>)
      tpu.yield
    }) : () -> ()
    %run_scoped3A_29 = arith.constant 1 : i32
    "tpu.region"() ({
      %run_scoped3A_52 = tpu.sem_alloc : memref<!tpu.dma_semaphore, #tpu.memory_space<semaphore_mem>>
      %dma_start3A_53 = arith.constant 0 : i32
      %dma_start3A_54 = arith.constant 0 : i32
      %dma_start3A_55 = tpu.memref_slice %arg3[%add3A_27, %run_scoped3A_29, %arg1, %dma_start3A_53, %dma_start3A_54] : memref<4x2x16x100x50xi32, #tpu.memory_space<hbm>> -> memref<1x1x1x100x50xi32, #tpu.memory_space<hbm>>
      %dma_start3A_56 = tpu.memref_squeeze %dma_start3A_55 : memref<1x1x1x100x50xi32, #tpu.memory_space<hbm>> -> memref<100x50xi32, #tpu.memory_space<hbm>>
      %dma_start3A_57 = arith.constant 0 : i32
      %dma_start3A_58 = arith.constant 0 : i32
      %dma_start3A_59 = tpu.memref_slice %arg3[%add3A_27, %run_scoped3A_29, %arg1, %dma_start3A_57, %dma_start3A_58] : memref<4x2x16x100x50xi32, #tpu.memory_space<hbm>> -> memref<1x1x1x100x50xi32, #tpu.memory_space<hbm>>
      %dma_start3A_60 = tpu.memref_squeeze %dma_start3A_59 : memref<1x1x1x100x50xi32, #tpu.memory_space<hbm>> -> memref<100x50xi32, #tpu.memory_space<hbm>>
      tpu.enqueue_dma source(%dma_start3A_60 : memref<100x50xi32, #tpu.memory_space<hbm>>) target(%arg7 : memref<100x50xi32, #tpu.memory_space<vmem>>) target_semaphore(%run_scoped3A_52 : memref<!tpu.dma_semaphore, #tpu.memory_space<semaphore_mem>>)
      %dma_wait3A = arith.constant 0 : i32
      %dma_wait3A_61 = arith.constant 0 : i32
      %dma_wait3A_62 = tpu.memref_slice %arg3[%add3A_27, %run_scoped3A_29, %arg1, %dma_wait3A, %dma_wait3A_61] : memref<4x2x16x100x50xi32, #tpu.memory_space<hbm>> -> memref<1x1x1x100x50xi32, #tpu.memory_space<hbm>>
      %dma_wait3A_63 = tpu.memref_squeeze %dma_wait3A_62 : memref<1x1x1x100x50xi32, #tpu.memory_space<hbm>> -> memref<100x50xi32, #tpu.memory_space<hbm>>
      %dma_wait3A_64 = arith.constant 0 : i32
      %dma_wait3A_65 = arith.constant 0 : i32
      %dma_wait3A_66 = tpu.memref_slice %arg3[%add3A_27, %run_scoped3A_29, %arg1, %dma_wait3A_64, %dma_wait3A_65] : memref<4x2x16x100x50xi32, #tpu.memory_space<hbm>> -> memref<1x1x1x100x50xi32, #tpu.memory_space<hbm>>
      %dma_wait3A_67 = tpu.memref_squeeze %dma_wait3A_66 : memref<1x1x1x100x50xi32, #tpu.memory_space<hbm>> -> memref<100x50xi32, #tpu.memory_space<hbm>>
      tpu.wait_dma2 semaphore(%run_scoped3A_52 : memref<!tpu.dma_semaphore, #tpu.memory_space<semaphore_mem>>) src(%dma_wait3A_67 : memref<100x50xi32, #tpu.memory_space<hbm>>) dst(%arg7 : memref<100x50xi32, #tpu.memory_space<vmem>>)
      tpu.yield
    }) : () -> ()
    %barrier3A_30 = arith.constant 0 : index
    tpu.barrier barrier_id(%barrier3A_30)
    %dma_start3A_31 = arith.constant 0 : i32
    %dma_start3A_32 = arith.constant 0 : i32
    %dma_start3A_33 = tpu.memref_slice %arg6[%dma_start3A_31, %dma_start3A_32] : memref<100x50xi32, #tpu.memory_space<vmem>> -> memref<1x50xi32, #tpu.memory_space<vmem>>
    %dma_start3A_34 = tpu.memref_squeeze %dma_start3A_33 : memref<1x50xi32, #tpu.memory_space<vmem>> -> memref<50xi32, #tpu.memory_space<vmem>>
    %dma_start3A_35 = arith.constant 0 : i32
    %dma_start3A_36 = arith.constant 0 : i32
    %dma_start3A_37 = tpu.memref_slice %arg2[%dma_start3A_35, %dma_start3A_36] : memref<10000x128xf32, #tpu.memory_space<hbm>> -> memref<10000x128xf32, #tpu.memory_space<hbm>>
    tpu.enqueue_indirect_dma source(%dma_start3A_37 : memref<10000x128xf32, #tpu.memory_space<hbm>>) target(%arg8 : memref<50x128xf32, #tpu.memory_space<vmem>>) offsets(%dma_start3A_34 : memref<50xi32, #tpu.memory_space<vmem>>) semaphore(%arg11 : memref<!tpu.dma_semaphore, #tpu.memory_space<semaphore_mem>>)
    %dma_start3A_38 = arith.constant 1 : i32
    %dma_start3A_39 = arith.constant 0 : i32
    %dma_start3A_40 = tpu.memref_slice %arg6[%dma_start3A_38, %dma_start3A_39] : memref<100x50xi32, #tpu.memory_space<vmem>> -> memref<1x50xi32, #tpu.memory_space<vmem>>
    %dma_start3A_41 = tpu.memref_squeeze %dma_start3A_40 : memref<1x50xi32, #tpu.memory_space<vmem>> -> memref<50xi32, #tpu.memory_space<vmem>>
    %dma_start3A_42 = arith.constant 0 : i32
    %dma_start3A_43 = arith.constant 0 : i32
    %dma_start3A_44 = tpu.memref_slice %arg2[%dma_start3A_42, %dma_start3A_43] : memref<10000x128xf32, #tpu.memory_space<hbm>> -> memref<10000x128xf32, #tpu.memory_space<hbm>>
    tpu.enqueue_indirect_dma source(%dma_start3A_44 : memref<10000x128xf32, #tpu.memory_space<hbm>>) target(%arg9 : memref<50x128xf32, #tpu.memory_space<vmem>>) offsets(%dma_start3A_41 : memref<50xi32, #tpu.memory_space<vmem>>) semaphore(%arg12 : memref<!tpu.dma_semaphore, #tpu.memory_space<semaphore_mem>>)
    %scan3A_45 = arith.constant 0 : i32
    %scan3A_46 = arith.constant 0 : i32
    %scan3A_47 = arith.constant 50 : i32
    %scan3A_48 = arith.addi %scan3A_46, %scan3A_47 : i32
    %scan3A_49 = arith.constant 1 : i32
    scf.for %scan3A_52 = %scan3A_46 to %scan3A_48 step %scan3A_49  : i32 {
      %mul3A_53 = arith.constant 2 : i32
      %mul3A_54 = arith.muli %scan3A_52, %mul3A_53 : i32
      %add3A_55 = arith.constant 0 : i32
      %add3A_56 = arith.addi %mul3A_54, %add3A_55 : i32
      %dma_wait3A = arith.constant 0 : i32
      %dma_wait3A_57 = tpu.memref_slice %arg6[%add3A_56, %dma_wait3A] : memref<100x50xi32, #tpu.memory_space<vmem>> -> memref<1x50xi32, #tpu.memory_space<vmem>>
      %dma_wait3A_58 = tpu.memref_squeeze %dma_wait3A_57 : memref<1x50xi32, #tpu.memory_space<vmem>> -> memref<50xi32, #tpu.memory_space<vmem>>
      %dma_wait3A_59 = arith.constant 0 : i32
      %dma_wait3A_60 = arith.constant 0 : i32
      %dma_wait3A_61 = tpu.memref_slice %arg2[%dma_wait3A_59, %dma_wait3A_60] : memref<10000x128xf32, #tpu.memory_space<hbm>> -> memref<10000x128xf32, #tpu.memory_space<hbm>>
      tpu.wait_indirect_dma semaphore(%arg11 : memref<!tpu.dma_semaphore, #tpu.memory_space<semaphore_mem>>) src(%dma_wait3A_61 : memref<10000x128xf32, #tpu.memory_space<hbm>>) dst(%arg8 : memref<50x128xf32, #tpu.memory_space<vmem>>)
      %dma_start3A_62 = arith.constant 0 : i32
      %dma_start3A_63 = tpu.memref_slice %arg7[%add3A_56, %dma_start3A_62] : memref<100x50xi32, #tpu.memory_space<vmem>> -> memref<1x50xi32, #tpu.memory_space<vmem>>
      %dma_start3A_64 = tpu.memref_squeeze %dma_start3A_63 : memref<1x50xi32, #tpu.memory_space<vmem>> -> memref<50xi32, #tpu.memory_space<vmem>>
      %dma_start3A_65 = arith.constant 0 : i32
      %dma_start3A_66 = arith.constant 0 : i32
      %dma_start3A_67 = tpu.memref_slice %arg10[%dma_start3A_65, %dma_start3A_66] : memref<10240x128xf32, #tpu.memory_space<vmem_shared>> -> memref<10240x128xf32, #tpu.memory_space<vmem_shared>>
      tpu.enqueue_indirect_dma source(%arg8 : memref<50x128xf32, #tpu.memory_space<vmem>>) target(%dma_start3A_67 : memref<10240x128xf32, #tpu.memory_space<vmem_shared>>) offsets(%dma_start3A_64 : memref<50xi32, #tpu.memory_space<vmem>>) semaphore(%arg13 : memref<!tpu.dma_semaphore, #tpu.memory_space<semaphore_mem>>) {add = true}
      %mul3A_68 = arith.constant 2 : i32
      %mul3A_69 = arith.muli %scan3A_52, %mul3A_68 : i32
      %add3A_70 = arith.constant 1 : i32
      %add3A_71 = arith.addi %mul3A_69, %add3A_70 : i32
      %dma_wait3A_72 = arith.constant 0 : i32
      %dma_wait3A_73 = tpu.memref_slice %arg6[%add3A_71, %dma_wait3A_72] : memref<100x50xi32, #tpu.memory_space<vmem>> -> memref<1x50xi32, #tpu.memory_space<vmem>>
      %dma_wait3A_74 = tpu.memref_squeeze %dma_wait3A_73 : memref<1x50xi32, #tpu.memory_space<vmem>> -> memref<50xi32, #tpu.memory_space<vmem>>
      %dma_wait3A_75 = arith.constant 0 : i32
      %dma_wait3A_76 = arith.constant 0 : i32
      %dma_wait3A_77 = tpu.memref_slice %arg2[%dma_wait3A_75, %dma_wait3A_76] : memref<10000x128xf32, #tpu.memory_space<hbm>> -> memref<10000x128xf32, #tpu.memory_space<hbm>>
      tpu.wait_indirect_dma semaphore(%arg12 : memref<!tpu.dma_semaphore, #tpu.memory_space<semaphore_mem>>) src(%dma_wait3A_77 : memref<10000x128xf32, #tpu.memory_space<hbm>>) dst(%arg9 : memref<50x128xf32, #tpu.memory_space<vmem>>)
      %dma_start3A_78 = arith.constant 0 : i32
      %dma_start3A_79 = tpu.memref_slice %arg7[%add3A_71, %dma_start3A_78] : memref<100x50xi32, #tpu.memory_space<vmem>> -> memref<1x50xi32, #tpu.memory_space<vmem>>
      %dma_start3A_80 = tpu.memref_squeeze %dma_start3A_79 : memref<1x50xi32, #tpu.memory_space<vmem>> -> memref<50xi32, #tpu.memory_space<vmem>>
      %dma_start3A_81 = arith.constant 0 : i32
      %dma_start3A_82 = arith.constant 0 : i32
      %dma_start3A_83 = tpu.memref_slice %arg10[%dma_start3A_81, %dma_start3A_82] : memref<10240x128xf32, #tpu.memory_space<vmem_shared>> -> memref<10240x128xf32, #tpu.memory_space<vmem_shared>>
      tpu.enqueue_indirect_dma source(%arg9 : memref<50x128xf32, #tpu.memory_space<vmem>>) target(%dma_start3A_83 : memref<10240x128xf32, #tpu.memory_space<vmem_shared>>) offsets(%dma_start3A_80 : memref<50xi32, #tpu.memory_space<vmem>>) semaphore(%arg14 : memref<!tpu.dma_semaphore, #tpu.memory_space<semaphore_mem>>) {add = true}
      %mul3A_84 = arith.constant 2 : i32
      %mul3A_85 = arith.muli %scan3A_52, %mul3A_84 : i32
      %add3A_86 = arith.constant 0 : i32
      %add3A_87 = arith.addi %mul3A_85, %add3A_86 : i32
      %dma_wait3A_88 = arith.constant 0 : i32
      %dma_wait3A_89 = tpu.memref_slice %arg7[%add3A_87, %dma_wait3A_88] : memref<100x50xi32, #tpu.memory_space<vmem>> -> memref<1x50xi32, #tpu.memory_space<vmem>>
      %dma_wait3A_90 = tpu.memref_squeeze %dma_wait3A_89 : memref<1x50xi32, #tpu.memory_space<vmem>> -> memref<50xi32, #tpu.memory_space<vmem>>
      %dma_wait3A_91 = arith.constant 0 : i32
      %dma_wait3A_92 = arith.constant 0 : i32
      %dma_wait3A_93 = tpu.memref_slice %arg10[%dma_wait3A_91, %dma_wait3A_92] : memref<10240x128xf32, #tpu.memory_space<vmem_shared>> -> memref<10240x128xf32, #tpu.memory_space<vmem_shared>>
      tpu.wait_indirect_dma semaphore(%arg13 : memref<!tpu.dma_semaphore, #tpu.memory_space<semaphore_mem>>) src(%arg8 : memref<50x128xf32, #tpu.memory_space<vmem>>) dst(%dma_wait3A_93 : memref<10240x128xf32, #tpu.memory_space<vmem_shared>>)
      %add3A_94 = arith.constant 2 : i32
      %add3A_95 = arith.addi %add3A_87, %add3A_94 : i32
      %lt3A = arith.constant 100 : i32
      %lt3A_96 = arith.cmpi slt, %add3A_95, %lt3A : i32
      %convert_element_type3A = arith.extui %lt3A_96 : i1 to i32
      %cond3A = arith.constant 0 : i32
      %cond3A_97 = arith.cmpi ne, %convert_element_type3A, %cond3A : i32
      scf.if %cond3A_97 {
        %add3A_115 = arith.constant 2 : i32
        %add3A_116 = arith.addi %add3A_87, %add3A_115 : i32
        %dma_start3A_117 = arith.constant 0 : i32
        %dma_start3A_118 = tpu.memref_slice %arg6[%add3A_116, %dma_start3A_117] : memref<100x50xi32, #tpu.memory_space<vmem>> -> memref<1x50xi32, #tpu.memory_space<vmem>>
        %dma_start3A_119 = tpu.memref_squeeze %dma_start3A_118 : memref<1x50xi32, #tpu.memory_space<vmem>> -> memref<50xi32, #tpu.memory_space<vmem>>
        %dma_start3A_120 = arith.constant 0 : i32
        %dma_start3A_121 = arith.constant 0 : i32
        %dma_start3A_122 = tpu.memref_slice %arg2[%dma_start3A_120, %dma_start3A_121] : memref<10000x128xf32, #tpu.memory_space<hbm>> -> memref<10000x128xf32, #tpu.memory_space<hbm>>
        tpu.enqueue_indirect_dma source(%dma_start3A_122 : memref<10000x128xf32, #tpu.memory_space<hbm>>) target(%arg8 : memref<50x128xf32, #tpu.memory_space<vmem>>) offsets(%dma_start3A_119 : memref<50xi32, #tpu.memory_space<vmem>>) semaphore(%arg11 : memref<!tpu.dma_semaphore, #tpu.memory_space<semaphore_mem>>)
      } else {
      }
      %mul3A_98 = arith.constant 2 : i32
      %mul3A_99 = arith.muli %scan3A_52, %mul3A_98 : i32
      %add3A_100 = arith.constant 1 : i32
      %add3A_101 = arith.addi %mul3A_99, %add3A_100 : i32
      %dma_wait3A_102 = arith.constant 0 : i32
      %dma_wait3A_103 = tpu.memref_slice %arg7[%add3A_101, %dma_wait3A_102] : memref<100x50xi32, #tpu.memory_space<vmem>> -> memref<1x50xi32, #tpu.memory_space<vmem>>
      %dma_wait3A_104 = tpu.memref_squeeze %dma_wait3A_103 : memref<1x50xi32, #tpu.memory_space<vmem>> -> memref<50xi32, #tpu.memory_space<vmem>>
      %dma_wait3A_105 = arith.constant 0 : i32
      %dma_wait3A_106 = arith.constant 0 : i32
      %dma_wait3A_107 = tpu.memref_slice %arg10[%dma_wait3A_105, %dma_wait3A_106] : memref<10240x128xf32, #tpu.memory_space<vmem_shared>> -> memref<10240x128xf32, #tpu.memory_space<vmem_shared>>
      tpu.wait_indirect_dma semaphore(%arg14 : memref<!tpu.dma_semaphore, #tpu.memory_space<semaphore_mem>>) src(%arg9 : memref<50x128xf32, #tpu.memory_space<vmem>>) dst(%dma_wait3A_107 : memref<10240x128xf32, #tpu.memory_space<vmem_shared>>)
      %add3A_108 = arith.constant 2 : i32
      %add3A_109 = arith.addi %add3A_101, %add3A_108 : i32
      %lt3A_110 = arith.constant 100 : i32
      %lt3A_111 = arith.cmpi slt, %add3A_109, %lt3A_110 : i32
      %convert_element_type3A_112 = arith.extui %lt3A_111 : i1 to i32
      %cond3A_113 = arith.constant 0 : i32
      %cond3A_114 = arith.cmpi ne, %convert_element_type3A_112, %cond3A_113 : i32
      scf.if %cond3A_114 {
        %add3A_115 = arith.constant 2 : i32
        %add3A_116 = arith.addi %add3A_101, %add3A_115 : i32
        %dma_start3A_117 = arith.constant 0 : i32
        %dma_start3A_118 = tpu.memref_slice %arg6[%add3A_116, %dma_start3A_117] : memref<100x50xi32, #tpu.memory_space<vmem>> -> memref<1x50xi32, #tpu.memory_space<vmem>>
        %dma_start3A_119 = tpu.memref_squeeze %dma_start3A_118 : memref<1x50xi32, #tpu.memory_space<vmem>> -> memref<50xi32, #tpu.memory_space<vmem>>
        %dma_start3A_120 = arith.constant 0 : i32
        %dma_start3A_121 = arith.constant 0 : i32
        %dma_start3A_122 = tpu.memref_slice %arg2[%dma_start3A_120, %dma_start3A_121] : memref<10000x128xf32, #tpu.memory_space<hbm>> -> memref<10000x128xf32, #tpu.memory_space<hbm>>
        tpu.enqueue_indirect_dma source(%dma_start3A_122 : memref<10000x128xf32, #tpu.memory_space<hbm>>) target(%arg9 : memref<50x128xf32, #tpu.memory_space<vmem>>) offsets(%dma_start3A_119 : memref<50xi32, #tpu.memory_space<vmem>>) semaphore(%arg12 : memref<!tpu.dma_semaphore, #tpu.memory_space<semaphore_mem>>)
      } else {
      }
    }
    %scan3A_50 = arith.constant 50 : i32
    %barrier3A_51 = arith.constant 0 : index
    tpu.barrier barrier_id(%barrier3A_51)
    "tpu.region"() ({
      %run_scoped3A_52 = tpu.sem_alloc : memref<!tpu.dma_semaphore, #tpu.memory_space<semaphore_mem>>
      %dma_start3A_53 = arith.constant 0 : i32
      %dma_start3A_54 = tpu.memref_slice %arg5[%add3A_27, %mul3A_0, %dma_start3A_53] : memref<4x10240x128xf32, #tpu.memory_space<hbm>> -> memref<1x640x128xf32, #tpu.memory_space<hbm>>
      %dma_start3A_55 = tpu.memref_squeeze %dma_start3A_54 : memref<1x640x128xf32, #tpu.memory_space<hbm>> -> memref<640x128xf32, #tpu.memory_space<hbm>>
      %dma_start3A_56 = arith.constant 0 : i32
      %dma_start3A_57 = tpu.memref_slice %arg10[%mul3A_0, %dma_start3A_56] : memref<10240x128xf32, #tpu.memory_space<vmem_shared>> -> memref<640x128xf32, #tpu.memory_space<vmem_shared>>
      tpu.enqueue_dma source(%dma_start3A_57 : memref<640x128xf32, #tpu.memory_space<vmem_shared>>) target(%dma_start3A_55 : memref<640x128xf32, #tpu.memory_space<hbm>>) target_semaphore(%run_scoped3A_52 : memref<!tpu.dma_semaphore, #tpu.memory_space<semaphore_mem>>)
      %dma_wait3A = arith.constant 0 : i32
      %dma_wait3A_58 = tpu.memref_slice %arg5[%add3A_27, %mul3A_0, %dma_wait3A] : memref<4x10240x128xf32, #tpu.memory_space<hbm>> -> memref<1x640x128xf32, #tpu.memory_space<hbm>>
      %dma_wait3A_59 = tpu.memref_squeeze %dma_wait3A_58 : memref<1x640x128xf32, #tpu.memory_space<hbm>> -> memref<640x128xf32, #tpu.memory_space<hbm>>
      %dma_wait3A_60 = arith.constant 0 : i32
      %dma_wait3A_61 = tpu.memref_slice %arg10[%mul3A_0, %dma_wait3A_60] : memref<10240x128xf32, #tpu.memory_space<vmem_shared>> -> memref<640x128xf32, #tpu.memory_space<vmem_shared>>
      tpu.wait_dma2 semaphore(%run_scoped3A_52 : memref<!tpu.dma_semaphore, #tpu.memory_space<semaphore_mem>>) src(%dma_wait3A_61 : memref<640x128xf32, #tpu.memory_space<vmem_shared>>) dst(%dma_wait3A_59 : memref<640x128xf32, #tpu.memory_space<hbm>>)
      tpu.yield
    }) : () -> ()
    return
  }
}

module attributes {stable_mosaic.version = 14 : i64} {
  func.func @_dense_init_body(%arg0: i32, %arg1: memref<1000x128xf32, #tpu.memory_space<vmem>>, %arg2: memref<128x128xf32, #tpu.memory_space<vmem>>, %arg3: memref<1x128xf32, #tpu.memory_space<vmem>>, %arg4: memref<128x128xf32, #tpu.memory_space<vmem>>, %arg5: memref<1000x128xf32, #tpu.memory_space<vmem>>) attributes {dimension_semantics = [#tpu.dimension_semantics<arbitrary>], iteration_bounds = array<i64: 10>, scalar_prefetch = 0 : i64, scratch_operands = 0 : i64, tpu.core_type = #tpu.core_type<tc>, window_params = [{transform_indices = @transform_0, window_bounds = array<i64: 1000, 128>}, {pipeline_mode = #tpu.pipeline_mode<synchronous>, transform_indices = @transform_1, window_bounds = array<i64: 128, 128>}, {pipeline_mode = #tpu.pipeline_mode<synchronous>, transform_indices = @transform_2, window_bounds = array<i64: 1, 128>}, {pipeline_mode = #tpu.pipeline_mode<synchronous>, transform_indices = @transform_3, window_bounds = array<i64: 128, 128>}, {transform_indices = @transform_4, window_bounds = array<i64: 1000, 128>}]} {
    %get3A = arith.constant 0 : index
    %get3A_0 = arith.constant 0 : index
    %get3A_1 = vector.load %arg1[%get3A, %get3A_0] : memref<1000x128xf32, #tpu.memory_space<vmem>>, vector<1000x128xf32>
    %get3A_2 = arith.constant 0 : index
    %get3A_3 = arith.constant 0 : index
    %get3A_4 = vector.load %arg2[%get3A_2, %get3A_3] : memref<128x128xf32, #tpu.memory_space<vmem>>, vector<128x128xf32>
    %dot_general3A = arith.constant dense<0.000000e+00> : vector<1000x128xf32>
    %dot_general3A_5 = tpu.matmul %get3A_1, %get3A_4, %dot_general3A {dimension_numbers = #tpu.dot_dimension_numbers<[1], [0], [0], [1], [0, 0, 1, 1], [], []>, transpose_lhs_hint = false} : vector<1000x128xf32>, vector<128x128xf32>, vector<1000x128xf32> -> vector<1000x128xf32>
    %get3A_6 = arith.constant 0 : index
    %get3A_7 = arith.constant 0 : index
    %get3A_8 = vector.load %arg3[%get3A_6, %get3A_7] : memref<1x128xf32, #tpu.memory_space<vmem>>, vector<1x128xf32>
    %add3A = vector.broadcast %get3A_8 : vector<1x128xf32> to vector<1000x128xf32>
    %add3A_9 = arith.addf %dot_general3A_5, %add3A : vector<1000x128xf32>
    %tanh3A = math.tanh %add3A_9 : vector<1000x128xf32>
    %mul3A = arith.mulf %tanh3A, %tanh3A : vector<1000x128xf32>
    %get3A_10 = arith.constant 0 : index
    %get3A_11 = arith.constant 0 : index
    %get3A_12 = vector.load %arg4[%get3A_10, %get3A_11] : memref<128x128xf32, #tpu.memory_space<vmem>>, vector<128x128xf32>
    %dot_general3A_13 = arith.constant dense<0.000000e+00> : vector<1000x128xf32>
    %dot_general3A_14 = tpu.matmul %mul3A, %get3A_12, %dot_general3A_13 {dimension_numbers = #tpu.dot_dimension_numbers<[1], [0], [0], [1], [0, 0, 1, 1], [], []>, transpose_lhs_hint = false} : vector<1000x128xf32>, vector<128x128xf32>, vector<1000x128xf32> -> vector<1000x128xf32>
    %sqrt3A = math.sqrt %dot_general3A_14 : vector<1000x128xf32>
    %max3A = arith.constant 9.99999996E-13 : f32
    %max3A_15 = vector.broadcast %max3A : f32 to vector<1000x128xf32>
    %max3A_16 = arith.maximumf %sqrt3A, %max3A_15 : vector<1000x128xf32>
    %div3A = arith.divf %tanh3A, %max3A_16 : vector<1000x128xf32>
    %swap3A = arith.constant 0 : index
    %swap3A_17 = arith.constant 0 : index
    %swap3A_18 = vector.load %arg5[%swap3A, %swap3A_17] : memref<1000x128xf32, #tpu.memory_space<vmem>>, vector<1000x128xf32>
    tpu.vector_store %arg5[%swap3A, %swap3A_17], %div3A {strides = array<i32>} : memref<1000x128xf32, #tpu.memory_space<vmem>>, vector<1000x128xf32>,
    return
  }
  func.func @transform_0(%arg0: i32) -> (i32, i32) {
    %c0_i32 = arith.constant 0 : i32
    %c0_i32_0 = arith.constant 0 : i32
    return %arg0, %c0_i32 : i32, i32
  }
  func.func @transform_1(%arg0: i32) -> (i32, i32) {
    %c0_i32 = arith.constant 0 : i32
    %c0_i32_0 = arith.constant 0 : i32
    %c0_i32_1 = arith.constant 0 : i32
    return %c0_i32, %c0_i32_0 : i32, i32
  }
  func.func @transform_2(%arg0: i32) -> (i32, i32) {
    %c0_i32 = arith.constant 0 : i32
    %c0_i32_0 = arith.constant 0 : i32
    %c0_i32_1 = arith.constant 0 : i32
    return %c0_i32, %c0_i32_0 : i32, i32
  }
  func.func @transform_3(%arg0: i32) -> (i32, i32) {
    %c0_i32 = arith.constant 0 : i32
    %c0_i32_0 = arith.constant 0 : i32
    %c0_i32_1 = arith.constant 0 : i32
    return %c0_i32, %c0_i32_0 : i32, i32
  }
  func.func @transform_4(%arg0: i32) -> (i32, i32) {
    %c0_i32 = arith.constant 0 : i32
    %c0_i32_0 = arith.constant 0 : i32
    return %arg0, %c0_i32 : i32, i32
  }
}

module attributes {stable_mosaic.version = 14 : i64} {
  func.func @_dense_combine_body(%arg0: i32, %arg1: memref<1000x128xf32, #tpu.memory_space<vmem>>, %arg2: memref<4x1000x128xf32, #tpu.memory_space<vmem>>, %arg3: memref<5x128x128xf32, #tpu.memory_space<vmem>>, %arg4: memref<1x128xf32, #tpu.memory_space<vmem>>, %arg5: memref<128x128xf32, #tpu.memory_space<vmem>>, %arg6: memref<1000x128xf32, #tpu.memory_space<vmem>>) attributes {dimension_semantics = [#tpu.dimension_semantics<arbitrary>], iteration_bounds = array<i64: 10>, scalar_prefetch = 0 : i64, scratch_operands = 0 : i64, tpu.core_type = #tpu.core_type<tc>, window_params = [{transform_indices = @transform_0, window_bounds = array<i64: 1000, 128>}, {transform_indices = @transform_1, window_bounds = array<i64: 4, 1000, 128>}, {pipeline_mode = #tpu.pipeline_mode<synchronous>, transform_indices = @transform_2, window_bounds = array<i64: 5, 128, 128>}, {pipeline_mode = #tpu.pipeline_mode<synchronous>, transform_indices = @transform_3, window_bounds = array<i64: 1, 128>}, {pipeline_mode = #tpu.pipeline_mode<synchronous>, transform_indices = @transform_4, window_bounds = array<i64: 128, 128>}, {transform_indices = @transform_5, window_bounds = array<i64: 1000, 128>}]} {
    %get3A = arith.constant 0 : index
    %get3A_0 = arith.constant 0 : index
    %get3A_1 = vector.load %arg1[%get3A, %get3A_0] : memref<1000x128xf32, #tpu.memory_space<vmem>>, vector<1000x128xf32>
    %get3A_2 = arith.constant 0 : index
    %get3A_3 = arith.constant 0 : index
    %get3A_4 = arith.constant 0 : index
    %get3A_5 = vector.load %arg3[%get3A_2, %get3A_3, %get3A_4] : memref<5x128x128xf32, #tpu.memory_space<vmem>>, vector<1x128x128xf32>
    %get3A_6 = vector.shape_cast %get3A_5 : vector<1x128x128xf32> to vector<128x128xf32>
    %dot_general3A = arith.constant dense<0.000000e+00> : vector<1000x128xf32>
    %dot_general3A_7 = tpu.matmul %get3A_1, %get3A_6, %dot_general3A {dimension_numbers = #tpu.dot_dimension_numbers<[1], [0], [0], [1], [0, 0, 1, 1], [], []>, transpose_lhs_hint = false} : vector<1000x128xf32>, vector<128x128xf32>, vector<1000x128xf32> -> vector<1000x128xf32>
    %get3A_8 = arith.constant 0 : index
    %get3A_9 = arith.constant 0 : index
    %get3A_10 = arith.constant 0 : index
    %get3A_11 = vector.load %arg2[%get3A_8, %get3A_9, %get3A_10] : memref<4x1000x128xf32, #tpu.memory_space<vmem>>, vector<1x1000x128xf32>
    %get3A_12 = vector.shape_cast %get3A_11 : vector<1x1000x128xf32> to vector<1000x128xf32>
    %get3A_13 = arith.constant 1 : index
    %get3A_14 = arith.constant 0 : index
    %get3A_15 = arith.constant 0 : index
    %get3A_16 = vector.load %arg3[%get3A_13, %get3A_14, %get3A_15] : memref<5x128x128xf32, #tpu.memory_space<vmem>>, vector<1x128x128xf32>
    %get3A_17 = vector.shape_cast %get3A_16 : vector<1x128x128xf32> to vector<128x128xf32>
    %dot_general3A_18 = arith.constant dense<0.000000e+00> : vector<1000x128xf32>
    %dot_general3A_19 = tpu.matmul %get3A_12, %get3A_17, %dot_general3A_18 {dimension_numbers = #tpu.dot_dimension_numbers<[1], [0], [0], [1], [0, 0, 1, 1], [], []>, transpose_lhs_hint = false} : vector<1000x128xf32>, vector<128x128xf32>, vector<1000x128xf32> -> vector<1000x128xf32>
    %add3A = arith.addf %dot_general3A_7, %dot_general3A_19 : vector<1000x128xf32>
    %get3A_20 = arith.constant 1 : index
    %get3A_21 = arith.constant 0 : index
    %get3A_22 = arith.constant 0 : index
    %get3A_23 = vector.load %arg2[%get3A_20, %get3A_21, %get3A_22] : memref<4x1000x128xf32, #tpu.memory_space<vmem>>, vector<1x1000x128xf32>
    %get3A_24 = vector.shape_cast %get3A_23 : vector<1x1000x128xf32> to vector<1000x128xf32>
    %get3A_25 = arith.constant 2 : index
    %get3A_26 = arith.constant 0 : index
    %get3A_27 = arith.constant 0 : index
    %get3A_28 = vector.load %arg3[%get3A_25, %get3A_26, %get3A_27] : memref<5x128x128xf32, #tpu.memory_space<vmem>>, vector<1x128x128xf32>
    %get3A_29 = vector.shape_cast %get3A_28 : vector<1x128x128xf32> to vector<128x128xf32>
    %dot_general3A_30 = arith.constant dense<0.000000e+00> : vector<1000x128xf32>
    %dot_general3A_31 = tpu.matmul %get3A_24, %get3A_29, %dot_general3A_30 {dimension_numbers = #tpu.dot_dimension_numbers<[1], [0], [0], [1], [0, 0, 1, 1], [], []>, transpose_lhs_hint = false} : vector<1000x128xf32>, vector<128x128xf32>, vector<1000x128xf32> -> vector<1000x128xf32>
    %add3A_32 = arith.addf %add3A, %dot_general3A_31 : vector<1000x128xf32>
    %get3A_33 = arith.constant 2 : index
    %get3A_34 = arith.constant 0 : index
    %get3A_35 = arith.constant 0 : index
    %get3A_36 = vector.load %arg2[%get3A_33, %get3A_34, %get3A_35] : memref<4x1000x128xf32, #tpu.memory_space<vmem>>, vector<1x1000x128xf32>
    %get3A_37 = vector.shape_cast %get3A_36 : vector<1x1000x128xf32> to vector<1000x128xf32>
    %get3A_38 = arith.constant 3 : index
    %get3A_39 = arith.constant 0 : index
    %get3A_40 = arith.constant 0 : index
    %get3A_41 = vector.load %arg3[%get3A_38, %get3A_39, %get3A_40] : memref<5x128x128xf32, #tpu.memory_space<vmem>>, vector<1x128x128xf32>
    %get3A_42 = vector.shape_cast %get3A_41 : vector<1x128x128xf32> to vector<128x128xf32>
    %dot_general3A_43 = arith.constant dense<0.000000e+00> : vector<1000x128xf32>
    %dot_general3A_44 = tpu.matmul %get3A_37, %get3A_42, %dot_general3A_43 {dimension_numbers = #tpu.dot_dimension_numbers<[1], [0], [0], [1], [0, 0, 1, 1], [], []>, transpose_lhs_hint = false} : vector<1000x128xf32>, vector<128x128xf32>, vector<1000x128xf32> -> vector<1000x128xf32>
    %add3A_45 = arith.addf %add3A_32, %dot_general3A_44 : vector<1000x128xf32>
    %get3A_46 = arith.constant 3 : index
    %get3A_47 = arith.constant 0 : index
    %get3A_48 = arith.constant 0 : index
    %get3A_49 = vector.load %arg2[%get3A_46, %get3A_47, %get3A_48] : memref<4x1000x128xf32, #tpu.memory_space<vmem>>, vector<1x1000x128xf32>
    %get3A_50 = vector.shape_cast %get3A_49 : vector<1x1000x128xf32> to vector<1000x128xf32>
    %get3A_51 = arith.constant 4 : index
    %get3A_52 = arith.constant 0 : index
    %get3A_53 = arith.constant 0 : index
    %get3A_54 = vector.load %arg3[%get3A_51, %get3A_52, %get3A_53] : memref<5x128x128xf32, #tpu.memory_space<vmem>>, vector<1x128x128xf32>
    %get3A_55 = vector.shape_cast %get3A_54 : vector<1x128x128xf32> to vector<128x128xf32>
    %dot_general3A_56 = arith.constant dense<0.000000e+00> : vector<1000x128xf32>
    %dot_general3A_57 = tpu.matmul %get3A_50, %get3A_55, %dot_general3A_56 {dimension_numbers = #tpu.dot_dimension_numbers<[1], [0], [0], [1], [0, 0, 1, 1], [], []>, transpose_lhs_hint = false} : vector<1000x128xf32>, vector<128x128xf32>, vector<1000x128xf32> -> vector<1000x128xf32>
    %add3A_58 = arith.addf %add3A_45, %dot_general3A_57 : vector<1000x128xf32>
    %get3A_59 = arith.constant 0 : index
    %get3A_60 = arith.constant 0 : index
    %get3A_61 = vector.load %arg4[%get3A_59, %get3A_60] : memref<1x128xf32, #tpu.memory_space<vmem>>, vector<1x128xf32>
    %add3A_62 = vector.broadcast %get3A_61 : vector<1x128xf32> to vector<1000x128xf32>
    %add3A_63 = arith.addf %add3A_58, %add3A_62 : vector<1000x128xf32>
    %tanh3A = math.tanh %add3A_63 : vector<1000x128xf32>
    %mul3A = arith.mulf %tanh3A, %tanh3A : vector<1000x128xf32>
    %get3A_64 = arith.constant 0 : index
    %get3A_65 = arith.constant 0 : index
    %get3A_66 = vector.load %arg5[%get3A_64, %get3A_65] : memref<128x128xf32, #tpu.memory_space<vmem>>, vector<128x128xf32>
    %dot_general3A_67 = arith.constant dense<0.000000e+00> : vector<1000x128xf32>
    %dot_general3A_68 = tpu.matmul %mul3A, %get3A_66, %dot_general3A_67 {dimension_numbers = #tpu.dot_dimension_numbers<[1], [0], [0], [1], [0, 0, 1, 1], [], []>, transpose_lhs_hint = false} : vector<1000x128xf32>, vector<128x128xf32>, vector<1000x128xf32> -> vector<1000x128xf32>
    %sqrt3A = math.sqrt %dot_general3A_68 : vector<1000x128xf32>
    %max3A = arith.constant 9.99999996E-13 : f32
    %max3A_69 = vector.broadcast %max3A : f32 to vector<1000x128xf32>
    %max3A_70 = arith.maximumf %sqrt3A, %max3A_69 : vector<1000x128xf32>
    %div3A = arith.divf %tanh3A, %max3A_70 : vector<1000x128xf32>
    %swap3A = arith.constant 0 : index
    %swap3A_71 = arith.constant 0 : index
    %swap3A_72 = vector.load %arg6[%swap3A, %swap3A_71] : memref<1000x128xf32, #tpu.memory_space<vmem>>, vector<1000x128xf32>
    tpu.vector_store %arg6[%swap3A, %swap3A_71], %div3A {strides = array<i32>} : memref<1000x128xf32, #tpu.memory_space<vmem>>, vector<1000x128xf32>,
    return
  }
  func.func @transform_0(%arg0: i32) -> (i32, i32) {
    %c0_i32 = arith.constant 0 : i32
    %c0_i32_0 = arith.constant 0 : i32
    return %arg0, %c0_i32 : i32, i32
  }
  func.func @transform_1(%arg0: i32) -> (i32, i32, i32) {
    %c0_i32 = arith.constant 0 : i32
    %c0_i32_0 = arith.constant 0 : i32
    %c0_i32_1 = arith.constant 0 : i32
    return %c0_i32, %arg0, %c0_i32_0 : i32, i32, i32
  }
  func.func @transform_2(%arg0: i32) -> (i32, i32, i32) {
    %c0_i32 = arith.constant 0 : i32
    %c0_i32_0 = arith.constant 0 : i32
    %c0_i32_1 = arith.constant 0 : i32
    %c0_i32_2 = arith.constant 0 : i32
    return %c0_i32, %c0_i32_0, %c0_i32_1 : i32, i32, i32
  }
  func.func @transform_3(%arg0: i32) -> (i32, i32) {
    %c0_i32 = arith.constant 0 : i32
    %c0_i32_0 = arith.constant 0 : i32
    %c0_i32_1 = arith.constant 0 : i32
    return %c0_i32, %c0_i32_0 : i32, i32
  }
  func.func @transform_4(%arg0: i32) -> (i32, i32) {
    %c0_i32 = arith.constant 0 : i32
    %c0_i32_0 = arith.constant 0 : i32
    %c0_i32_1 = arith.constant 0 : i32
    return %c0_i32, %c0_i32_0 : i32, i32
  }
  func.func @transform_5(%arg0: i32) -> (i32, i32) {
    %c0_i32 = arith.constant 0 : i32
    %c0_i32_0 = arith.constant 0 : i32
    return %arg0, %c0_i32 : i32, i32
  }
}

</mosaic_0001>

<sc_bundles>
// kernel: kernel.10.cloned.1.call-start
scs
__scs_entry_jumppad:
0x0: {  	(pc) =	sbr.rel $0x88, $3  }
0x1: {  	(tag) =	ssettag $0x0;
	lr =	simm.s32 $0x1  }
0x2: {  	[smem:$0x3F99] =	sst lr;
	_ =	strace $0xD0000000  }
0x3: {  	_ = 	snop  }
0x4: {  	_ = 	snop  }
0x5: {  	_ = 	snop  }
0x6: {  	_ = 	snop  }
0x7: {  	_ = 	snop  }
__scs_overlays_trampoline_lowered:
0x8: {  	[smem:$0x3FA8] =	sst s0  }
0x9: {  	[smem:$0x3FA9] =	sst s1  }
0xa: {  	[smem:$0x3FAA] =	sst s2  }
0xb: {  	[smem:$0x3FAB] =	sst s3  }
0xc: {  	[smem:$0x3FAC] =	sst s4  }
0xd: {  	[smem:$0x3FAD] =	sst s5  }
0xe: {  	[smem:$0x3FAE] =	sst s6  }
0xf: {  	[smem:$0x3FAF] =	sst s7  }
0x10: {  	[smem:$0x3FB0] =	sst s8  }
0x11: {  	[smem:$0x3FB1] =	sst s9;
	s0 =	simm.s32 @!p0 $0x0  }
0x12: {  	s1 =	sld [smem:$0x3F97];
	s0 =	simm.s32 @p0 $0x1  }
0x13: {  	[smem:$0x3FB2] =	sst s0;
	s0 =	simm.s32 @!p1 $0x0  }
0x14: {  	s2 =	sld [smem:$0x3F96];
	s0 =	simm.s32 @p1 $0x1  }
0x15: {  	[smem:$0x3FB3] =	sst s0;
	s0 =	simm.s32 @!p2 $0x0  }
0x16: {  	s3 =	sld [smem:$0x3FDB];
	s0 =	simm.s32 @p2 $0x1  }
0x17: {  	s4 =	simm.s32 $0x1BF5;
	[smem:$0x3FB5] =	sst s0  }
0x18: {  	s0 =	sld [smem:$0x3F98];
	_ =	swait.ge [sflag:s4], $0x0  }
0x19: {  	s7 =	sld [smem:$0x3F99]  }
0x1a: {  	s8 =	sadd.s32 $0xFFFFE003, lr  }
0x1b: {  	s9 =	sadd.s32 $0xFFFFFEF7, lr;
	s5 =	simm.s32 $0xFFFFFFFF;
	p2 =	slt.u32 s8, $0xFFFFF086  }
0x1c: {  	p1 =	slt.u32 s9, $0xF7A;
	s5 =	simm.s32 @!p2 $0x0  }
0x1d: {  	s5 =	simm.s32 @p1 $0x1;
	p0 =	seq.s32 s7, s2  }
0x1e: {  	s7 =	smul.u32 @!p0 $0xF7A, s2;
	p2 =	seq.s32 @!p0 s5, $0x0  }
0x1f: {  	s9 =	smul.u32 $0xF7A, s1;
	s8 =	simm.s32 @!p0 $0x1BF5;
	p2 =	por !p2, p0  }
0x20: {  	[sflag:s8] =	ssyncset.s32 @!p0 $0xFFFFF086;
	s6 =	sadd.s32 @!p0 s3, s7;
	s7 =	simm.s32 @!p0 $0x108  }
0x21: {  	s3 =	sadd.s32 s3, s9;
	s6 =	sadd.s32 @!p0 $0x88, s6;
	s7 =	simm.s32 @p2 $0x1082  }
0x22: {  	[simem:s7], [sflag:s8] =	dma.local @!p0 [hbm:s6], $0xF7A  }
0x23: {  	s9 =	sor.u32 $0xD0000000, s2;
	s6 =	simm.s32 $0x108;
	_ =	swait.ge @!p0 [sflag:s8], $0x0  }
0x24: {  	s3 =	sadd.s32 $0x88, s3;
	s6 =	simm.s32 @!p1 $0x1082;
	[sflag:s4] =	ssyncset.s32 $0xFFFFF086  }
0x25: {  	[simem:s6], [sflag:s4] =	dma.local [hbm:s3], $0xF7A  }
0x26: {  	[smem:$0x3F99] =	sst s1;
	(tag) =	ssettag s2;
	_ =	strace s9  }
0x27: {  	s1 =	sld [smem:$0x3FA9]  }
0x28: {  	s2 =	sld [smem:$0x3FAA]  }
0x29: {  	s4 =	sld [smem:$0x3FAC]  }
0x2a: {  	p0 =	seq.s32 s5, $0x0;
	s5 =	sld [smem:$0x3FAD]  }
0x2b: {  	s6 =	sld [smem:$0x3FAE]  }
0x2c: {  	s7 =	sld [smem:$0x3FAF]  }
0x2d: {  	s3 =	simm.s32 $0x108;
	s8 =	sld [smem:$0x3FB0]  }
0x2e: {  	s3 =	simm.s32 @!p0 $0x1082;
	s9 =	sld [smem:$0x3FB1]  }
0x2f: {  	lr =	sadd.s32 s0, s3;
	s0 =	sld [smem:$0x3FA8]  }
0x30: {  	s3 =	sld [smem:$0x3FAB]  }
0x31: {  	[smem:$0x3FB4] =	sst s10  }
0x32: {  	s10 =	sld [smem:$0x3FB2];
	_ =	sdelay $0x3  }
0x33: {  	p0 =	seq.s32 s10, $0x1;
	s10 =	sld [smem:$0x3FB4];
	_ =	sdelay $0x3  }
0x34: {  	[smem:$0x3FB4] =	sst s10  }
0x35: {  	s10 =	sld [smem:$0x3FB3];
	_ =	sdelay $0x3  }
0x36: {  	p1 =	seq.s32 s10, $0x1;
	s10 =	sld [smem:$0x3FB4];
	_ =	sdelay $0x3  }
0x37: {  	[smem:$0x3FB4] =	sst s10  }
0x38: {  	s10 =	sld [smem:$0x3FB5]  }
0x39: {  	_ = 	snop;
	(pc) =	sbr.ind lr, $3  }
0x3a: {  	_ = 	snop  }
0x3b: {  	_ = 	snop  }
0x3c: {  	p2 =	seq.s32 s10, $0x1;
	s10 =	sld [smem:$0x3FB4]  }
0x3d: {  	_ =	shalt  }
0x3e: {  	_ =	shalt  }
0x3f: {  	_ =	shalt  }
0x40: {  	_ =	shalt  }
0x41: {  	_ =	shalt  }
0x42: {  	_ =	shalt  }
0x43: {  	_ =	shalt  }
0x44: {  	_ =	shalt  }
0x45: {  	_ =	shalt  }
0x46: {  	_ =	shalt  }
0x47: {  	_ =	shalt  }
0x48: {  	_ =	shalt  }
0x49: {  	_ =	shalt  }
0x4a: {  	_ =	shalt  }
0x4b: {  	_ =	shalt  }
0x4c: {  	_ =	shalt  }
0x4d: {  	_ =	shalt  }
0x4e: {  	_ =	shalt  }
0x4f: {  	_ =	shalt  }
0x50: {  	_ =	shalt  }
0x51: {  	_ =	shalt  }
0x52: {  	_ =	shalt  }
0x53: {  	_ =	shalt  }
0x54: {  	_ =	shalt  }
0x55: {  	_ =	shalt  }
0x56: {  	_ =	shalt  }
0x57: {  	_ =	shalt  }
0x58: {  	_ =	shalt  }
0x59: {  	_ =	shalt  }
0x5a: {  	_ =	shalt  }
0x5b: {  	_ =	shalt  }
0x5c: {  	_ =	shalt  }
0x5d: {  	_ =	shalt  }
0x5e: {  	_ =	shalt  }
0x5f: {  	_ =	shalt  }
0x60: {  	_ =	shalt  }
0x61: {  	_ =	shalt  }
0x62: {  	_ =	shalt  }
0x63: {  	_ =	shalt  }
0x64: {  	_ =	shalt  }
0x65: {  	_ =	shalt  }
0x66: {  	_ =	shalt  }
0x67: {  	_ =	shalt  }
0x68: {  	_ =	shalt  }
0x69: {  	_ =	shalt  }
0x6a: {  	_ =	shalt  }
0x6b: {  	_ =	shalt  }
0x6c: {  	_ =	shalt  }
0x6d: {  	_ =	shalt  }
0x6e: {  	_ =	shalt  }
0x6f: {  	_ =	shalt  }
0x70: {  	_ =	shalt  }
0x71: {  	_ =	shalt  }
0x72: {  	_ =	shalt  }
0x73: {  	_ =	shalt  }
0x74: {  	_ =	shalt  }
0x75: {  	_ =	shalt  }
0x76: {  	_ =	shalt  }
0x77: {  	_ =	shalt  }
0x78: {  	_ =	shalt  }
0x79: {  	_ =	shalt  }
0x7a: {  	_ =	shalt  }
0x7b: {  	_ =	shalt  }
0x7c: {  	_ =	shalt  }
0x7d: {  	_ =	shalt  }
0x7e: {  	_ =	shalt  }
0x7f: {  	_ =	shalt  }
0x80: {  	_ =	shalt  }
0x81: {  	_ =	shalt  }
0x82: {  	_ =	shalt  }
0x83: {  	_ =	shalt  }
0x84: {  	_ =	shalt  }
0x85: {  	_ =	shalt  }
0x86: {  	_ =	shalt  }
0x87: {  	_ =	shalt  }
.Lfunc_end0:
.L_simem_size_0:
called_computation.1_lowered:
.L_overlay_start_0:
0x88: {  	s2 =	sld [smem:$0x3FD9]  }
0x89: {  	s3 =	sld [smem:$0x3FFE];
	_ =	sdelay $0x1  }
0x8a: {  	s1 =	srdreg.scid  }
0x8b: {  	s0 =	sand.u32 $0x1, s1  }
0x8c: {  	s17 =	sshll.u32 s0, $0xA;
	s2 =	sadd.s32 s3, s2  }
0x8d: {  	s2 =	sadd.s32 s2, s17  }
0x8e: {  	[smem:$0x3FC0] =	sst s2  }
0x8f: {  	_ = 	snop  }
0x90: {  	s2 =	sld [smem:$0x3FD0];
	(tm) =	ssettm $0x1  }
0x91: {  	s18 =	sld [smem:$0x3FFB];
	_ =	sdelay $0x3  }
0x92: {  	_ =	strace s18  }
0x93: {  	s3 =	sld [smem:$0x3FFC];
	_ =	sdelay $0x3  }
0x94: {  	_ =	strace s3  }
0x95: {  	s3 =	sld [smem:$0x3FFD];
	_ =	sdelay $0x3  }
0x96: {  	_ =	strace s3  }
0x97: {  	_ =	strace $0x8FFFFFFF  }
0x98: {  	s19 =	sld [smem:$0x3FDB];
	_ =	sdelay $0x1  }
0x99: {  	s4 =	simm.s32 $_scs_section_size  }
0x9a: {  	s5 =	simm.s32 $_size__tile_overlayer_lowered;
	s6 =	simm.s32 $_tile_overlayer_lowered  }
0x9b: {  	s22 =	simm.s32 $0x1BFF;
	s21 =	sshll.u32 s6, $0x1;
	s3 =	sadd.s32 s4, s19  }
0x9c: {  	s7 =	simm.s32 $0x0;
	s20 =	sshll.u32 s5, $0x1;
	s5 =	sadd.s32 s21, s3  }
0x9d: {  	[timem:s7], [sflag:s22] =	dma.local [hbm:s5], s20  }
0x9e: {  	_ =	swait.ge [sflag:s22], s20  }
0x9f: {  	s4 =	ssub.s32 $0x0, s20;
	[sflag:s22] =	ssyncset.done $0x0  }
0xa0: {  	[sflag:s22] =	ssyncadd.s32 s4;
	_ =	sdelay $0x1  }
0xa1: {  	s23 =	simm.s32 $0x1B8B  }
0xa2: {  	_ =	swait.ge [sflag:s23], $0x1  }
0xa3: {  	[sflag:s23] =	ssyncset.done $0x0  }
0xa4: {  	s25 =	simm.s32 $0x1B8E;
	s24 =	sld [smem:$0x3FFE];
	[sflag:s23] =	ssyncadd.s32 $0xFFFFFFFF  }
0xa5: {  	s26 =	simm.s32 $execute0_lowered;
	[smem:$0x3FD2] =	sst s25  }
0xa6: {  	s5 =	sshll.u32 s26, $0x1;
	_ =	strace $0x80000049;
	[dreg:$0x1] =	wrdreg $0xFFFFFFFF  }
0xa7: {  	s28 =	simm.s32 $_size_execute0_lowered;
	s3 =	sadd.s32 s3, s5;
	[dreg:$0x0] =	wrdreg $0x0  }
0xa8: {  	s5 =	sshll.u32 s28, $0x1;
	[dreg:$0x2] =	wrdreg s3  }
0xa9: {  	[dreg:$0x3] =	wrdreg s5  }
0xaa: {  	[dreg:$0x4] =	wrdreg $0xC0  }
0xab: {  	_ =	task [dreg:s7], $0x5FFFF  }
0xac: {  	[dreg:$0x1] =	wrdreg $0xFFFFFFFF  }
0xad: {  	[dreg:$0x0] =	wrdreg $0x60  }
0xae: {  	[dreg:$0x2] =	wrdreg s2  }
0xaf: {  	[dreg:$0x3] =	wrdreg s24  }
0xb0: {  	[dreg:$0x4] =	wrdreg $0xA0000  }
0xb1: {  	[dreg:$0x5] =	wrdreg $0x9  }
0xb2: {  	_ =	task.clear_ibuf [dreg:s7], $0x6FFFF;
	_ =	strace $0x90000049  }
0xb3: {  	s29 =	simm.s32 $0x9;
	_ =	strace $0x8000004B  }
0xb4: {  	_ =	swait.ge [sflag:s29], $0x1  }
0xb5: {  	[sflag:s29] =	ssyncadd.s32 $0xFFFFFFFF  }
0xb6: {  	_ =	strace $0x9000004B  }
0xb7: {  	_ =	sfence  }
0xb8: {  	s30 =	sld [smem:$0x0];
	_ =	sdelay $0x2  }
0xb9: {  	s31 =	sshll.u32 s1, $0xD;
	s1 =	sshrl.u32 s1, $0x2  }
0xba: {  	s3 =	sand.u32 $0x4000, s31;
	s1 =	sadd.s32 s1, s30  }
0xbb: {  	s0 =	sor.u32 s3, s0;
	s1 =	sshll.u32 s1, $0x11  }
0xbc: {  	s0 =	sor.u32 s1, s0  }
0xbd: {  	s0 =	sadd.s32 $0x8F2B, s0  }
0xbe: {  	[sflag:s0] =	ssyncadd.remote.s32 $0x1  }
0xbf: {  	_ =	sfence.sel $0xFFFF  }
0xc0: {  	[dreg:$0x0] =	wrdreg $0xFFFFFFFF;
	(pc) =	sbr.abs _section_cstart, $3  }
0xc1: {  	[dreg:$0x1] =	wrdreg $0xFFFFFFFF  }
0xc2: {  	_ =	task.clear_ibuf [dreg:s7], $0x2FFFF;
	_ =	strace $0x9FFFFFFF  }
0xc3: {  	(tm) =	ssettm $0x7FFFFFFF  }
tec
execute0_lowered:
.L_overlay_start_1:
0x0: {  	(tag) =	ssettag $0x1  }
0x1: {  	s1 =	rddreg [dreg:$0x0]  }
0x2: {  	s6 =	rddreg [dreg:$0x1]  }
0x3: {  	s2 =	rddreg [dreg:$0x2]  }
0x4: {  	s0 =	rddreg [dreg:$0x3];
	s4 =	simm.s32 $0x0;
	s5 =	srdreg.scid  }
0x5: {  	s3 =	stileid.u32;
	s18 =	simm.s32 $0x6800;
	s19 =	simm.s32 $0x80  }
0x6: {  	s20 =	simm.s32 $0x8400;
	s21 =	simm.s32 $0x1;
	s8 =	smul.u32 $0x50000, s3  }
0x7: {  	s28 =	simm.s32 $0x0;
	[smem:$0x7FF] =	sst s4;
	s11 =	smul.u32 $0x3400, s3  }
0x8: {  	s9 =	sadd.s32 $0x2800, s6;
	s7 =	sand.u32 $0x1, s5;
	s24 =	smul.u32 $0x14000, s3  }
0x9: {  	s5 =	sadd.s32 $0x36800, s6;
	s12 =	sadd.s32 $0x39000, s6;
	s13 =	smul.u32 $0xD0000, s7  }
0xa: {  	s10 =	ssub.s32 $0x2, s7;
	s26 =	smul.u32 $0x280000, s7;
	s7 =	sshllo.u32 s7, $0x1  }
0xb: {  	s30 =	sshll.u32 s3, $0x6;
	_ =	strace $0x8000004A;
	s16 =	smul.u32 $0x68000, s7  }
0xc: {  	s22 =	sshrl.u32 s10, $0x1;
	s23 =	sshrl.u32 s8, $0x2;
	s17 =	smul.u32 $0x140000, s7  }
0xd: {  	s7 =	sor.u32 $0x1C05, s30;
	s14 =	ssub.s32 s10, s22;
	s25 =	sadd.s32 s11, s13  }
0xe: {  	s15 =	sadd.s32 s23, s2;
	s13 =	sadd.s32 s24, s26;
	s22 =	simm.s32 $0x2  }
0xf: {  	s23 =	simm.s32 $0x3;
	s26 =	simm.s32 $0x6580;
	s29 =	sshrl.u32 s25, $0x3  }
0x10: {  	s11 =	sadd.s32 s11, s16;
	s10 =	sadd.s32 s24, s17;
	s13 =	sshrl.u32 s13, $0x3  }
0x11: {  	s16 =	simm.s32 $0x3400;
	s17 =	simm.s32 $0x32;
	s24 =	simm.s32 $0x4  }
0x12: {  	s25 =	simm.s32 $0x6500;
	s6 =	sadd.s32 s9, s29;
	s11 =	sshrl.u32 s11, $0x3  }
0x13: {  	s31 =	sshrl.u32 s10, $0x3;
	s10 =	sadd.s32 s12, s13;
	s13 =	smax.u32 s14, $0x1  }
0x14: {  	s14 =	sshrl.u32 s15, $0x3;
	s15 =	simm.s32 $0x5;
	s9 =	sadd.s32 s9, s11  }
0x15: {  	s8 =	sadd.s32 $0x6800, s6;
	s12 =	sadd.s32 s12, s31;
	s11 =	sadd.s32 $0x6800, s9  }
.LBB2_1:
0x16: {  	[spmem:s14], [sflag:s7] =	dma.local [hbm:s5], $0x2800  }
0x17: {  	_ =	swait.ge [sflag:s15], $0x2800  }
0x18: {  	[sflag:s15] =	ssyncset.done $0x0  }
0x19: {  	[sflag:s15] =	ssyncadd.s32 $0xFFFFD800  }
0x1a: {  	[tilespmem:s4], [sflag:$0x5] =	stream.linear.gather [hbm4b:s6+s4], $0x3200, $0x38;
	[tilespmem:$0x1E000] =	vst v63  }
0x1b: {  	_ =	swait.ge [sflag:s15], $0x3200  }
0x1c: {  	[sflag:s15] =	ssyncset.done $0x0  }
0x1d: {  	[sflag:s15] =	ssyncadd.s32 $0xFFFFCE00  }
0x1e: {  	[tilespmem:s16], [sflag:$0x5] =	stream.linear.gather [hbm4b:s8+s4], $0x3200, $0x38;
	[tilespmem:$0x1E000] =	vst v63  }
0x1f: {  	_ =	swait.ge [sflag:s15], $0x3200  }
0x20: {  	[sflag:s15] =	ssyncset.done $0x0  }
0x21: {  	[sflag:s15] =	ssyncadd.s32 $0xFFFFCE00  }
0x22: {  	[bflag:$0x0] =	sbarrier.arrive $0xFFFF  }
0x23: {  	[tilespmem:s18], [sflag:$0x1] =	stream.indirect.gather [hbm4b:s1+s17], $0x80, s4, s17, $0xb8;
	[tilespmem:$0x1E000] =	vst v63  }
0x24: {  	_ = 	snop  }
0x25: {  	[tilespmem:s20], [sflag:$0x2] =	stream.indirect.gather [hbm4b:s1+s17], $0x80, s19, s17, $0xb8;
	[tilespmem:$0x1E000] =	vst v63  }
0x26: {  	_ =	swait.ge [sflag:s21], $0x1900  }
0x27: {  	[sflag:s21] =	ssyncset.done $0x0  }
0x28: {  	s29 =	simm.s32 $0x3400;
	[sflag:s21] =	ssyncadd.s32 $0xFFFFE700  }
0x29: {  	[spmem:s2] =	stream.indirect.scatter.add.f32 [tilespmem:s18], [sflag:$0x3], $0x80, s29, s17, $0xb8;
	[tilespmem:$0x1E000] =	vst v63  }
0x2a: {  	_ =	swait.ge [sflag:s22], $0x1900  }
0x2b: {  	[sflag:s22] =	ssyncset.done $0x0  }
0x2c: {  	s29 =	simm.s32 $0x3480;
	[sflag:s22] =	ssyncadd.s32 $0xFFFFE700  }
0x2d: {  	[spmem:s2] =	stream.indirect.scatter.add.f32 [tilespmem:s20], [sflag:$0x4], $0x80, s29, s17, $0xb8;
	[tilespmem:$0x1E000] =	vst v63  }
0x2e: {  	_ =	swait.ge [sflag:s23], $0x1900  }
0x2f: {  	[sflag:s23] =	ssyncset.done $0x0  }
0x30: {  	s29 =	simm.s32 $0x100;
	[sflag:s23] =	ssyncadd.s32 $0xFFFFE700  }
0x31: {  	[tilespmem:s18], [sflag:$0x1] =	stream.indirect.gather [hbm4b:s1+s17], $0x80, s29, s17, $0xb8;
	[tilespmem:$0x1E000] =	vst v63  }
0x32: {  	_ =	swait.ge [sflag:s24], $0x1900  }
0x33: {  	[sflag:s24] =	ssyncset.done $0x0  }
0x34: {  	s30 =	simm.s32 $0x180;
	s29 =	simm.s32 $0x400;
	[sflag:s24] =	ssyncadd.s32 $0xFFFFE700  }
.LBB2_2:
0x35: {  	[tilespmem:s20], [sflag:$0x2] =	stream.indirect.gather [hbm4b:s1+s17], $0x80, s30, s17, $0xb8;
	[tilespmem:$0x1E000] =	vst v63  }
0x36: {  	s30 =	smov.u32 s29  }
0x37: {  	p0 =	sne.s32 s29, $0xC000;
	s29 =	sadd.s32 $0x400, s29;
	_ =	swait.ge [sflag:s21], $0x1900  }
0x38: {  	s30 =	sshra.s32 s30, $0x2;
	[sflag:s21] =	ssyncset.done $0x0  }
0x39: {  	s31 =	sadd.s32 $0x3400, s30;
	[sflag:s21] =	ssyncadd.s32 $0xFFFFE700  }
0x3a: {  	[spmem:s2] =	stream.indirect.scatter.add.f32 [tilespmem:s18], [sflag:$0x3], $0x80, s31, s17, $0xb8;
	[tilespmem:$0x1E000] =	vst v63  }
0x3b: {  	_ =	swait.ge [sflag:s22], $0x1900  }
0x3c: {  	[sflag:s22] =	ssyncset.done $0x0  }
0x3d: {  	s31 =	sadd.s32 $0x3480, s30;
	[sflag:s22] =	ssyncadd.s32 $0xFFFFE700  }
0x3e: {  	[spmem:s2] =	stream.indirect.scatter.add.f32 [tilespmem:s20], [sflag:$0x4], $0x80, s31, s17, $0xb8;
	[tilespmem:$0x1E000] =	vst v63  }
0x3f: {  	_ =	swait.ge [sflag:s23], $0x1900  }
0x40: {  	[sflag:s23] =	ssyncset.done $0x0  }
.Ltmp0:
0x41: {  	s31 =	sadd.s32 $0x100, s30;
	[sflag:s23] =	ssyncadd.s32 $0xFFFFE700;
	(pc) =	sbr.rel @p0 .LBB2_2-.Ltmp0, $4  }
0x42: {  	[tilespmem:s18], [sflag:$0x1] =	stream.indirect.gather [hbm4b:s1+s17], $0x80, s31, s17, $0xb8;
	[tilespmem:$0x1E000] =	vst v63  }
0x43: {  	_ =	swait.ge [sflag:s24], $0x1900  }
0x44: {  	[sflag:s24] =	ssyncset.done $0x0  }
0x45: {  	s30 =	sadd.s32 $0x180, s30;
	[sflag:s24] =	ssyncadd.s32 $0xFFFFE700  }
0x46: {  	[tilespmem:s20], [sflag:$0x2] =	stream.indirect.gather [hbm4b:s1+s17], $0x80, s30, s17, $0xb8;
	[tilespmem:$0x1E000] =	vst v63  }
0x47: {  	_ =	swait.ge [sflag:s21], $0x1900  }
0x48: {  	[sflag:s21] =	ssyncset.done $0x0  }
0x49: {  	[sflag:s21] =	ssyncadd.s32 $0xFFFFE700  }
0x4a: {  	[spmem:s2] =	stream.indirect.scatter.add.f32 [tilespmem:s18], [sflag:$0x3], $0x80, s25, s17, $0xb8;
	[tilespmem:$0x1E000] =	vst v63  }
0x4b: {  	_ =	swait.ge [sflag:s22], $0x1900  }
0x4c: {  	[sflag:s22] =	ssyncset.done $0x0  }
0x4d: {  	[sflag:s22] =	ssyncadd.s32 $0xFFFFE700  }
0x4e: {  	[spmem:s2] =	stream.indirect.scatter.add.f32 [tilespmem:s20], [sflag:$0x4], $0x80, s26, s17, $0xb8;
	[tilespmem:$0x1E000] =	vst v63  }
0x4f: {  	_ =	swait.ge [sflag:s23], $0x1900  }
0x50: {  	[sflag:s23] =	ssyncset.done $0x0  }
0x51: {  	[sflag:s23] =	ssyncadd.s32 $0xFFFFE700  }
0x52: {  	_ =	swait.ge [sflag:s24], $0x1900  }
0x53: {  	[sflag:s24] =	ssyncset.done $0x0  }
0x54: {  	[sflag:s24] =	ssyncadd.s32 $0xFFFFE700  }
0x55: {  	[bflag:$0x0] =	sbarrier.arrive $0xFFFF  }
0x56: {  	[hbm:s10], [sflag:s7] =	dma.local [spmem:s14], $0x2800  }
0x57: {  	_ =	swait.ge [sflag:s15], $0x2800  }
0x58: {  	[sflag:s15] =	ssyncset.done $0x0  }
0x59: {  	[sflag:s15] =	ssyncadd.s32 $0xFFFFD800  }
0x5a: {  	[spmem:s14], [sflag:s7] =	dma.local [hbm:s5], $0x2800  }
0x5b: {  	_ =	swait.ge [sflag:s15], $0x2800  }
0x5c: {  	[sflag:s15] =	ssyncset.done $0x0  }
0x5d: {  	s29 =	simm.s32 $0x0;
	[sflag:s15] =	ssyncadd.s32 $0xFFFFD800  }
0x5e: {  	[tilespmem:s29], [sflag:$0x5] =	stream.linear.gather [hbm4b:s9+s29], $0x3200, $0x38;
	[tilespmem:$0x1E000] =	vst v63  }
0x5f: {  	_ =	swait.ge [sflag:s15], $0x3200  }
0x60: {  	[sflag:s15] =	ssyncset.done $0x0  }
0x61: {  	[sflag:s15] =	ssyncadd.s32 $0xFFFFCE00  }
0x62: {  	[tilespmem:s16], [sflag:$0x5] =	stream.linear.gather [hbm4b:s11+s29], $0x3200, $0x38;
	[tilespmem:$0x1E000] =	vst v63  }
0x63: {  	_ =	swait.ge [sflag:s15], $0x3200  }
0x64: {  	[sflag:s15] =	ssyncset.done $0x0  }
0x65: {  	[sflag:s15] =	ssyncadd.s32 $0xFFFFCE00  }
0x66: {  	[bflag:$0x0] =	sbarrier.arrive $0xFFFF  }
0x67: {  	[tilespmem:s18], [sflag:$0x1] =	stream.indirect.gather [hbm4b:s1+s17], $0x80, s29, s17, $0xb8;
	[tilespmem:$0x1E000] =	vst v63  }
0x68: {  	_ = 	snop  }
0x69: {  	[tilespmem:s20], [sflag:$0x2] =	stream.indirect.gather [hbm4b:s1+s17], $0x80, s19, s17, $0xb8;
	[tilespmem:$0x1E000] =	vst v63  }
0x6a: {  	_ =	swait.ge [sflag:s21], $0x1900  }
0x6b: {  	[sflag:s21] =	ssyncset.done $0x0  }
0x6c: {  	s29 =	simm.s32 $0x3400;
	[sflag:s21] =	ssyncadd.s32 $0xFFFFE700  }
0x6d: {  	[spmem:s2] =	stream.indirect.scatter.add.f32 [tilespmem:s18], [sflag:$0x3], $0x80, s29, s17, $0xb8;
	[tilespmem:$0x1E000] =	vst v63  }
0x6e: {  	_ =	swait.ge [sflag:s22], $0x1900  }
0x6f: {  	[sflag:s22] =	ssyncset.done $0x0  }
0x70: {  	s29 =	simm.s32 $0x3480;
	[sflag:s22] =	ssyncadd.s32 $0xFFFFE700  }
0x71: {  	[spmem:s2] =	stream.indirect.scatter.add.f32 [tilespmem:s20], [sflag:$0x4], $0x80, s29, s17, $0xb8;
	[tilespmem:$0x1E000] =	vst v63  }
0x72: {  	_ =	swait.ge [sflag:s23], $0x1900  }
0x73: {  	[sflag:s23] =	ssyncset.done $0x0  }
0x74: {  	s29 =	simm.s32 $0x100;
	[sflag:s23] =	ssyncadd.s32 $0xFFFFE700  }
0x75: {  	[tilespmem:s18], [sflag:$0x1] =	stream.indirect.gather [hbm4b:s1+s17], $0x80, s29, s17, $0xb8;
	[tilespmem:$0x1E000] =	vst v63  }
0x76: {  	_ =	swait.ge [sflag:s24], $0x1900  }
0x77: {  	[sflag:s24] =	ssyncset.done $0x0  }
0x78: {  	s30 =	simm.s32 $0x180;
	s29 =	simm.s32 $0x400;
	[sflag:s24] =	ssyncadd.s32 $0xFFFFE700  }
.LBB2_4:
0x79: {  	[tilespmem:s20], [sflag:$0x2] =	stream.indirect.gather [hbm4b:s1+s17], $0x80, s30, s17, $0xb8;
	[tilespmem:$0x1E000] =	vst v63  }
0x7a: {  	s30 =	smov.u32 s29  }
0x7b: {  	p0 =	sne.s32 s29, $0xC000;
	s29 =	sadd.s32 $0x400, s29;
	_ =	swait.ge [sflag:s21], $0x1900  }
0x7c: {  	s30 =	sshra.s32 s30, $0x2;
	[sflag:s21] =	ssyncset.done $0x0  }
0x7d: {  	s31 =	sadd.s32 $0x3400, s30;
	[sflag:s21] =	ssyncadd.s32 $0xFFFFE700  }
0x7e: {  	[spmem:s2] =	stream.indirect.scatter.add.f32 [tilespmem:s18], [sflag:$0x3], $0x80, s31, s17, $0xb8;
	[tilespmem:$0x1E000] =	vst v63  }
0x7f: {  	_ =	swait.ge [sflag:s22], $0x1900  }
0x80: {  	[sflag:s22] =	ssyncset.done $0x0  }
0x81: {  	s31 =	sadd.s32 $0x3480, s30;
	[sflag:s22] =	ssyncadd.s32 $0xFFFFE700  }
0x82: {  	[spmem:s2] =	stream.indirect.scatter.add.f32 [tilespmem:s20], [sflag:$0x4], $0x80, s31, s17, $0xb8;
	[tilespmem:$0x1E000] =	vst v63  }
0x83: {  	_ =	swait.ge [sflag:s23], $0x1900  }
0x84: {  	[sflag:s23] =	ssyncset.done $0x0  }
.Ltmp1:
0x85: {  	s31 =	sadd.s32 $0x100, s30;
	[sflag:s23] =	ssyncadd.s32 $0xFFFFE700;
	(pc) =	sbr.rel @p0 .LBB2_4-.Ltmp1, $4  }
0x86: {  	[tilespmem:s18], [sflag:$0x1] =	stream.indirect.gather [hbm4b:s1+s17], $0x80, s31, s17, $0xb8;
	[tilespmem:$0x1E000] =	vst v63  }
0x87: {  	_ =	swait.ge [sflag:s24], $0x1900  }
0x88: {  	[sflag:s24] =	ssyncset.done $0x0  }
0x89: {  	s30 =	sadd.s32 $0x180, s30;
	[sflag:s24] =	ssyncadd.s32 $0xFFFFE700  }
0x8a: {  	[tilespmem:s20], [sflag:$0x2] =	stream.indirect.gather [hbm4b:s1+s17], $0x80, s30, s17, $0xb8;
	[tilespmem:$0x1E000] =	vst v63  }
0x8b: {  	_ =	swait.ge [sflag:s21], $0x1900  }
0x8c: {  	[sflag:s21] =	ssyncset.done $0x0  }
0x8d: {  	[sflag:s21] =	ssyncadd.s32 $0xFFFFE700  }
0x8e: {  	[spmem:s2] =	stream.indirect.scatter.add.f32 [tilespmem:s18], [sflag:$0x3], $0x80, s25, s17, $0xb8;
	[tilespmem:$0x1E000] =	vst v63  }
0x8f: {  	_ =	swait.ge [sflag:s22], $0x1900  }
0x90: {  	[sflag:s22] =	ssyncset.done $0x0  }
0x91: {  	[sflag:s22] =	ssyncadd.s32 $0xFFFFE700  }
0x92: {  	[spmem:s2] =	stream.indirect.scatter.add.f32 [tilespmem:s20], [sflag:$0x4], $0x80, s26, s17, $0xb8;
	[tilespmem:$0x1E000] =	vst v63  }
0x93: {  	_ =	swait.ge [sflag:s23], $0x1900  }
0x94: {  	[sflag:s23] =	ssyncset.done $0x0  }
0x95: {  	[sflag:s23] =	ssyncadd.s32 $0xFFFFE700  }
0x96: {  	_ =	swait.ge [sflag:s24], $0x1900  }
0x97: {  	s28 =	sadd.s32 $0x1, s28;
	[sflag:s24] =	ssyncset.done $0x0  }
0x98: {  	p0 =	sne.s32 s28, s13;
	[sflag:s24] =	ssyncadd.s32 $0xFFFFE700  }
.Ltmp2:
0x99: {  	[bflag:$0x0] =	sbarrier.arrive $0xFFFF;
	(pc) =	sbr.rel @p0 .LBB2_1-.Ltmp2, $4  }
0x9a: {  	[hbm:s12], [sflag:s7] =	dma.local [spmem:s14], $0x2800  }
0x9b: {  	_ =	swait.ge [sflag:s15], $0x2800  }
0x9c: {  	[sflag:s15] =	ssyncset.done $0x0  }
0x9d: {  	[sflag:s15] =	ssyncadd.s32 $0xFFFFD800  }
0x9e: {  	_ =	sfence.sel $0x180000  }
0x9f: {  	[bflag:$0x0] =	sbarrier.arrive $0xFFFF  }
0xa0: {  	p0 =	sne.s32 s3, $0x0;
	_ =	strace $0x9000004A  }
0xa1: {  	s0 =	sadd.s32 @!p0 $0x100000, s0;
	[bflag:$0x2] =	sbarrier.arrive $0xFFFF  }
0xa2: {  	[sflag:s0] =	ssyncadd.tile.s32 @!p0 $0x1;
	_ =	shalt  }
.Lfunc_end2:
_tile_overlayer_lowered:
.L_overlay_start_2:
0xa3: {  	(tag) =	ssettag $0x2  }
0xa4: {  	s0 =	rddreg [dreg:$0x0];
	s2 =	stileid.u32  }
0xa5: {  	s1 =	rddreg [dreg:$0x1];
	p0 =	sne.s32 s2, $0x0  }
0xa6: {  	s3 =	rddreg [dreg:$0x2];
	[bflag:$0x3] =	sbarrier.arrive $0xFFFF;
	s2 =	simm.s32 @!p0 $0x1C05  }
0xa7: {  	[timem:s3], [sflag:s2] =	dma.local @!p0 [hbm:s0], s1  }
0xa8: {  	s0 =	simm.s32 @!p0 $0x5  }
0xa9: {  	_ =	swait.ge @!p0 [sflag:s0], s1  }
0xaa: {  	s1 =	ssub.s32 @!p0 $0x0, s1;
	[sflag:s0] =	ssyncset.done @!p0 $0x0  }
0xab: {  	[sflag:s0] =	ssyncadd.s32 @!p0 s1  }
0xac: {  	[bflag:$0x3] =	sbarrier.arrive $0xFFFF  }
0xad: {  	_ =	shalt  }

// kernel: kernel.7.cloned.1.call-start
scs
__scs_entry_jumppad:
0x0: {  	(pc) =	sbr.rel $0x88, $3  }
0x1: {  	(tag) =	ssettag $0x0;
	lr =	simm.s32 $0x1  }
0x2: {  	[smem:$0x3F99] =	sst lr;
	_ =	strace $0xD0000000  }
0x3: {  	_ = 	snop  }
0x4: {  	_ = 	snop  }
0x5: {  	_ = 	snop  }
0x6: {  	_ = 	snop  }
0x7: {  	_ = 	snop  }
__scs_overlays_trampoline_lowered:
0x8: {  	[smem:$0x3FA8] =	sst s0  }
0x9: {  	[smem:$0x3FA9] =	sst s1  }
0xa: {  	[smem:$0x3FAA] =	sst s2  }
0xb: {  	[smem:$0x3FAB] =	sst s3  }
0xc: {  	[smem:$0x3FAC] =	sst s4  }
0xd: {  	[smem:$0x3FAD] =	sst s5  }
0xe: {  	[smem:$0x3FAE] =	sst s6  }
0xf: {  	[smem:$0x3FAF] =	sst s7  }
0x10: {  	[smem:$0x3FB0] =	sst s8  }
0x11: {  	[smem:$0x3FB1] =	sst s9;
	s0 =	simm.s32 @!p0 $0x0  }
0x12: {  	s1 =	sld [smem:$0x3F97];
	s0 =	simm.s32 @p0 $0x1  }
0x13: {  	[smem:$0x3FB2] =	sst s0;
	s0 =	simm.s32 @!p1 $0x0  }
0x14: {  	s2 =	sld [smem:$0x3F96];
	s0 =	simm.s32 @p1 $0x1  }
0x15: {  	[smem:$0x3FB3] =	sst s0;
	s0 =	simm.s32 @!p2 $0x0  }
0x16: {  	s3 =	sld [smem:$0x3FDB];
	s0 =	simm.s32 @p2 $0x1  }
0x17: {  	s4 =	simm.s32 $0x1BF5;
	[smem:$0x3FB5] =	sst s0  }
0x18: {  	s0 =	sld [smem:$0x3F98];
	_ =	swait.ge [sflag:s4], $0x0  }
0x19: {  	s7 =	sld [smem:$0x3F99]  }
0x1a: {  	s8 =	sadd.s32 $0xFFFFE003, lr  }
0x1b: {  	s9 =	sadd.s32 $0xFFFFFEF7, lr;
	s5 =	simm.s32 $0xFFFFFFFF;
	p2 =	slt.u32 s8, $0xFFFFF086  }
0x1c: {  	p1 =	slt.u32 s9, $0xF7A;
	s5 =	simm.s32 @!p2 $0x0  }
0x1d: {  	s5 =	simm.s32 @p1 $0x1;
	p0 =	seq.s32 s7, s2  }
0x1e: {  	s7 =	smul.u32 @!p0 $0xF7A, s2;
	p2 =	seq.s32 @!p0 s5, $0x0  }
0x1f: {  	s9 =	smul.u32 $0xF7A, s1;
	s8 =	simm.s32 @!p0 $0x1BF5;
	p2 =	por !p2, p0  }
0x20: {  	[sflag:s8] =	ssyncset.s32 @!p0 $0xFFFFF086;
	s6 =	sadd.s32 @!p0 s3, s7;
	s7 =	simm.s32 @!p0 $0x108  }
0x21: {  	s3 =	sadd.s32 s3, s9;
	s6 =	sadd.s32 @!p0 $0x88, s6;
	s7 =	simm.s32 @p2 $0x1082  }
0x22: {  	[simem:s7], [sflag:s8] =	dma.local @!p0 [hbm:s6], $0xF7A  }
0x23: {  	s9 =	sor.u32 $0xD0000000, s2;
	s6 =	simm.s32 $0x108;
	_ =	swait.ge @!p0 [sflag:s8], $0x0  }
0x24: {  	s3 =	sadd.s32 $0x88, s3;
	s6 =	simm.s32 @!p1 $0x1082;
	[sflag:s4] =	ssyncset.s32 $0xFFFFF086  }
0x25: {  	[simem:s6], [sflag:s4] =	dma.local [hbm:s3], $0xF7A  }
0x26: {  	[smem:$0x3F99] =	sst s1;
	(tag) =	ssettag s2;
	_ =	strace s9  }
0x27: {  	s1 =	sld [smem:$0x3FA9]  }
0x28: {  	s2 =	sld [smem:$0x3FAA]  }
0x29: {  	s4 =	sld [smem:$0x3FAC]  }
0x2a: {  	p0 =	seq.s32 s5, $0x0;
	s5 =	sld [smem:$0x3FAD]  }
0x2b: {  	s6 =	sld [smem:$0x3FAE]  }
0x2c: {  	s7 =	sld [smem:$0x3FAF]  }
0x2d: {  	s3 =	simm.s32 $0x108;
	s8 =	sld [smem:$0x3FB0]  }
0x2e: {  	s3 =	simm.s32 @!p0 $0x1082;
	s9 =	sld [smem:$0x3FB1]  }
0x2f: {  	lr =	sadd.s32 s0, s3;
	s0 =	sld [smem:$0x3FA8]  }
0x30: {  	s3 =	sld [smem:$0x3FAB]  }
0x31: {  	[smem:$0x3FB4] =	sst s10  }
0x32: {  	s10 =	sld [smem:$0x3FB2];
	_ =	sdelay $0x3  }
0x33: {  	p0 =	seq.s32 s10, $0x1;
	s10 =	sld [smem:$0x3FB4];
	_ =	sdelay $0x3  }
0x34: {  	[smem:$0x3FB4] =	sst s10  }
0x35: {  	s10 =	sld [smem:$0x3FB3];
	_ =	sdelay $0x3  }
0x36: {  	p1 =	seq.s32 s10, $0x1;
	s10 =	sld [smem:$0x3FB4];
	_ =	sdelay $0x3  }
0x37: {  	[smem:$0x3FB4] =	sst s10  }
0x38: {  	s10 =	sld [smem:$0x3FB5]  }
0x39: {  	_ = 	snop;
	(pc) =	sbr.ind lr, $3  }
0x3a: {  	_ = 	snop  }
0x3b: {  	_ = 	snop  }
0x3c: {  	p2 =	seq.s32 s10, $0x1;
	s10 =	sld [smem:$0x3FB4]  }
0x3d: {  	_ =	shalt  }
0x3e: {  	_ =	shalt  }
0x3f: {  	_ =	shalt  }
0x40: {  	_ =	shalt  }
0x41: {  	_ =	shalt  }
0x42: {  	_ =	shalt  }
0x43: {  	_ =	shalt  }
0x44: {  	_ =	shalt  }
0x45: {  	_ =	shalt  }
0x46: {  	_ =	shalt  }
0x47: {  	_ =	shalt  }
0x48: {  	_ =	shalt  }
0x49: {  	_ =	shalt  }
0x4a: {  	_ =	shalt  }
0x4b: {  	_ =	shalt  }
0x4c: {  	_ =	shalt  }
0x4d: {  	_ =	shalt  }
0x4e: {  	_ =	shalt  }
0x4f: {  	_ =	shalt  }
0x50: {  	_ =	shalt  }
0x51: {  	_ =	shalt  }
0x52: {  	_ =	shalt  }
0x53: {  	_ =	shalt  }
0x54: {  	_ =	shalt  }
0x55: {  	_ =	shalt  }
0x56: {  	_ =	shalt  }
0x57: {  	_ =	shalt  }
0x58: {  	_ =	shalt  }
0x59: {  	_ =	shalt  }
0x5a: {  	_ =	shalt  }
0x5b: {  	_ =	shalt  }
0x5c: {  	_ =	shalt  }
0x5d: {  	_ =	shalt  }
0x5e: {  	_ =	shalt  }
0x5f: {  	_ =	shalt  }
0x60: {  	_ =	shalt  }
0x61: {  	_ =	shalt  }
0x62: {  	_ =	shalt  }
0x63: {  	_ =	shalt  }
0x64: {  	_ =	shalt  }
0x65: {  	_ =	shalt  }
0x66: {  	_ =	shalt  }
0x67: {  	_ =	shalt  }
0x68: {  	_ =	shalt  }
0x69: {  	_ =	shalt  }
0x6a: {  	_ =	shalt  }
0x6b: {  	_ =	shalt  }
0x6c: {  	_ =	shalt  }
0x6d: {  	_ =	shalt  }
0x6e: {  	_ =	shalt  }
0x6f: {  	_ =	shalt  }
0x70: {  	_ =	shalt  }
0x71: {  	_ =	shalt  }
0x72: {  	_ =	shalt  }
0x73: {  	_ =	shalt  }
0x74: {  	_ =	shalt  }
0x75: {  	_ =	shalt  }
0x76: {  	_ =	shalt  }
0x77: {  	_ =	shalt  }
0x78: {  	_ =	shalt  }
0x79: {  	_ =	shalt  }
0x7a: {  	_ =	shalt  }
0x7b: {  	_ =	shalt  }
0x7c: {  	_ =	shalt  }
0x7d: {  	_ =	shalt  }
0x7e: {  	_ =	shalt  }
0x7f: {  	_ =	shalt  }
0x80: {  	_ =	shalt  }
0x81: {  	_ =	shalt  }
0x82: {  	_ =	shalt  }
0x83: {  	_ =	shalt  }
0x84: {  	_ =	shalt  }
0x85: {  	_ =	shalt  }
0x86: {  	_ =	shalt  }
0x87: {  	_ =	shalt  }
.Lfunc_end0:
.L_simem_size_0:
called_computation_lowered:
.L_overlay_start_0:
0x88: {  	s2 =	sld [smem:$0x3FD9]  }
0x89: {  	s3 =	sld [smem:$0x3FFE];
	_ =	sdelay $0x1  }
0x8a: {  	s1 =	srdreg.scid  }
0x8b: {  	s0 =	sand.u32 $0x1, s1  }
0x8c: {  	s17 =	sshll.u32 s0, $0xA;
	s2 =	sadd.s32 s3, s2  }
0x8d: {  	s2 =	sadd.s32 s2, s17  }
0x8e: {  	[smem:$0x3FC0] =	sst s2  }
0x8f: {  	_ = 	snop  }
0x90: {  	s2 =	sld [smem:$0x3FD0];
	(tm) =	ssettm $0x1  }
0x91: {  	s18 =	sld [smem:$0x3FFB];
	_ =	sdelay $0x3  }
0x92: {  	_ =	strace s18  }
0x93: {  	s3 =	sld [smem:$0x3FFC];
	_ =	sdelay $0x3  }
0x94: {  	_ =	strace s3  }
0x95: {  	s3 =	sld [smem:$0x3FFD];
	_ =	sdelay $0x3  }
0x96: {  	_ =	strace s3  }
0x97: {  	_ =	strace $0x8FFFFFFF  }
0x98: {  	s19 =	sld [smem:$0x3FDB];
	_ =	sdelay $0x1  }
0x99: {  	s4 =	simm.s32 $_scs_section_size  }
0x9a: {  	s5 =	simm.s32 $_size__tile_overlayer_lowered;
	s6 =	simm.s32 $_tile_overlayer_lowered  }
0x9b: {  	s22 =	simm.s32 $0x1BFF;
	s21 =	sshll.u32 s6, $0x1;
	s3 =	sadd.s32 s4, s19  }
0x9c: {  	s7 =	simm.s32 $0x0;
	s20 =	sshll.u32 s5, $0x1;
	s5 =	sadd.s32 s21, s3  }
0x9d: {  	[timem:s7], [sflag:s22] =	dma.local [hbm:s5], s20  }
0x9e: {  	_ =	swait.ge [sflag:s22], s20  }
0x9f: {  	s4 =	ssub.s32 $0x0, s20;
	[sflag:s22] =	ssyncset.done $0x0  }
0xa0: {  	[sflag:s22] =	ssyncadd.s32 s4;
	_ =	sdelay $0x1  }
0xa1: {  	s23 =	simm.s32 $0x1B8B  }
0xa2: {  	_ =	swait.ge [sflag:s23], $0x1  }
0xa3: {  	[sflag:s23] =	ssyncset.done $0x0  }
0xa4: {  	s25 =	simm.s32 $0x1B8E;
	s24 =	sld [smem:$0x3FFE];
	[sflag:s23] =	ssyncadd.s32 $0xFFFFFFFF  }
0xa5: {  	s26 =	simm.s32 $execute0_lowered;
	[smem:$0x3FD2] =	sst s25  }
0xa6: {  	s5 =	sshll.u32 s26, $0x1;
	_ =	strace $0x80000046;
	[dreg:$0x1] =	wrdreg $0xFFFFFFFF  }
0xa7: {  	s28 =	simm.s32 $_size_execute0_lowered;
	s3 =	sadd.s32 s3, s5;
	[dreg:$0x0] =	wrdreg $0x0  }
0xa8: {  	s5 =	sshll.u32 s28, $0x1;
	[dreg:$0x2] =	wrdreg s3  }
0xa9: {  	[dreg:$0x3] =	wrdreg s5  }
0xaa: {  	[dreg:$0x4] =	wrdreg $0xC0  }
0xab: {  	_ =	task [dreg:s7], $0x5FFFF  }
0xac: {  	[dreg:$0x1] =	wrdreg $0xFFFFFFFF  }
0xad: {  	[dreg:$0x0] =	wrdreg $0x60  }
0xae: {  	[dreg:$0x2] =	wrdreg s2  }
0xaf: {  	[dreg:$0x3] =	wrdreg s24  }
0xb0: {  	[dreg:$0x4] =	wrdreg $0xA0000  }
0xb1: {  	[dreg:$0x5] =	wrdreg $0x9  }
0xb2: {  	_ =	task.clear_ibuf [dreg:s7], $0x6FFFF;
	_ =	strace $0x90000046  }
0xb3: {  	s29 =	simm.s32 $0x9;
	_ =	strace $0x80000048  }
0xb4: {  	_ =	swait.ge [sflag:s29], $0x1  }
0xb5: {  	[sflag:s29] =	ssyncadd.s32 $0xFFFFFFFF  }
0xb6: {  	_ =	strace $0x90000048  }
0xb7: {  	_ =	sfence  }
0xb8: {  	s30 =	sld [smem:$0x0];
	_ =	sdelay $0x2  }
0xb9: {  	s31 =	sshll.u32 s1, $0xD;
	s1 =	sshrl.u32 s1, $0x2  }
0xba: {  	s3 =	sand.u32 $0x4000, s31;
	s1 =	sadd.s32 s1, s30  }
0xbb: {  	s0 =	sor.u32 s3, s0;
	s1 =	sshll.u32 s1, $0x11  }
0xbc: {  	s0 =	sor.u32 s1, s0  }
0xbd: {  	s0 =	sadd.s32 $0x8F2B, s0  }
0xbe: {  	[sflag:s0] =	ssyncadd.remote.s32 $0x1  }
0xbf: {  	_ =	sfence.sel $0xFFFF  }
0xc0: {  	[dreg:$0x0] =	wrdreg $0xFFFFFFFF;
	(pc) =	sbr.abs _section_cstart, $3  }
0xc1: {  	[dreg:$0x1] =	wrdreg $0xFFFFFFFF  }
0xc2: {  	_ =	task.clear_ibuf [dreg:s7], $0x2FFFF;
	_ =	strace $0x9FFFFFFF  }
0xc3: {  	(tm) =	ssettm $0x7FFFFFFF  }
tec
execute0_lowered:
.L_overlay_start_1:
0x0: {  	(tag) =	ssettag $0x1  }
0x1: {  	s1 =	rddreg [dreg:$0x0]  }
0x2: {  	s6 =	rddreg [dreg:$0x1]  }
0x3: {  	s2 =	rddreg [dreg:$0x2]  }
0x4: {  	s0 =	rddreg [dreg:$0x3];
	s4 =	simm.s32 $0x0;
	s5 =	srdreg.scid  }
0x5: {  	s3 =	stileid.u32;
	s18 =	simm.s32 $0x6800;
	s19 =	simm.s32 $0x80  }
0x6: {  	s20 =	simm.s32 $0x8400;
	s21 =	simm.s32 $0x1;
	s8 =	smul.u32 $0x50000, s3  }
0x7: {  	s28 =	simm.s32 $0x0;
	[smem:$0x7FF] =	sst s4;
	s11 =	smul.u32 $0x3400, s3  }
0x8: {  	s9 =	sadd.s32 $0x2800, s6;
	s7 =	sand.u32 $0x1, s5;
	s24 =	smul.u32 $0x14000, s3  }
0x9: {  	s5 =	sadd.s32 $0x36800, s6;
	s12 =	sadd.s32 $0x39000, s6;
	s13 =	smul.u32 $0xD0000, s7  }
0xa: {  	s10 =	ssub.s32 $0x2, s7;
	s26 =	smul.u32 $0x280000, s7;
	s7 =	sshllo.u32 s7, $0x1  }
0xb: {  	s30 =	sshll.u32 s3, $0x6;
	_ =	strace $0x80000047;
	s16 =	smul.u32 $0x68000, s7  }
0xc: {  	s22 =	sshrl.u32 s10, $0x1;
	s23 =	sshrl.u32 s8, $0x2;
	s17 =	smul.u32 $0x140000, s7  }
0xd: {  	s7 =	sor.u32 $0x1C05, s30;
	s14 =	ssub.s32 s10, s22;
	s25 =	sadd.s32 s11, s13  }
0xe: {  	s15 =	sadd.s32 s23, s2;
	s13 =	sadd.s32 s24, s26;
	s22 =	simm.s32 $0x2  }
0xf: {  	s23 =	simm.s32 $0x3;
	s26 =	simm.s32 $0x6580;
	s29 =	sshrl.u32 s25, $0x3  }
0x10: {  	s11 =	sadd.s32 s11, s16;
	s10 =	sadd.s32 s24, s17;
	s13 =	sshrl.u32 s13, $0x3  }
0x11: {  	s16 =	simm.s32 $0x3400;
	s17 =	simm.s32 $0x32;
	s24 =	simm.s32 $0x4  }
0x12: {  	s25 =	simm.s32 $0x6500;
	s6 =	sadd.s32 s9, s29;
	s11 =	sshrl.u32 s11, $0x3  }
0x13: {  	s31 =	sshrl.u32 s10, $0x3;
	s10 =	sadd.s32 s12, s13;
	s13 =	smax.u32 s14, $0x1  }
0x14: {  	s14 =	sshrl.u32 s15, $0x3;
	s15 =	simm.s32 $0x5;
	s9 =	sadd.s32 s9, s11  }
0x15: {  	s8 =	sadd.s32 $0x6800, s6;
	s12 =	sadd.s32 s12, s31;
	s11 =	sadd.s32 $0x6800, s9  }
.LBB2_1:
0x16: {  	[spmem:s14], [sflag:s7] =	dma.local [hbm:s5], $0x2800  }
0x17: {  	_ =	swait.ge [sflag:s15], $0x2800  }
0x18: {  	[sflag:s15] =	ssyncset.done $0x0  }
0x19: {  	[sflag:s15] =	ssyncadd.s32 $0xFFFFD800  }
0x1a: {  	[tilespmem:s4], [sflag:$0x5] =	stream.linear.gather [hbm4b:s6+s4], $0x3200, $0x38;
	[tilespmem:$0x1E000] =	vst v63  }
0x1b: {  	_ =	swait.ge [sflag:s15], $0x3200  }
0x1c: {  	[sflag:s15] =	ssyncset.done $0x0  }
0x1d: {  	[sflag:s15] =	ssyncadd.s32 $0xFFFFCE00  }
0x1e: {  	[tilespmem:s16], [sflag:$0x5] =	stream.linear.gather [hbm4b:s8+s4], $0x3200, $0x38;
	[tilespmem:$0x1E000] =	vst v63  }
0x1f: {  	_ =	swait.ge [sflag:s15], $0x3200  }
0x20: {  	[sflag:s15] =	ssyncset.done $0x0  }
0x21: {  	[sflag:s15] =	ssyncadd.s32 $0xFFFFCE00  }
0x22: {  	[bflag:$0x0] =	sbarrier.arrive $0xFFFF  }
0x23: {  	[tilespmem:s18], [sflag:$0x1] =	stream.indirect.gather [hbm4b:s1+s17], $0x80, s4, s17, $0xb8;
	[tilespmem:$0x1E000] =	vst v63  }
0x24: {  	_ = 	snop  }
0x25: {  	[tilespmem:s20], [sflag:$0x2] =	stream.indirect.gather [hbm4b:s1+s17], $0x80, s19, s17, $0xb8;
	[tilespmem:$0x1E000] =	vst v63  }
0x26: {  	_ =	swait.ge [sflag:s21], $0x1900  }
0x27: {  	[sflag:s21] =	ssyncset.done $0x0  }
0x28: {  	s29 =	simm.s32 $0x3400;
	[sflag:s21] =	ssyncadd.s32 $0xFFFFE700  }
0x29: {  	[spmem:s2] =	stream.indirect.scatter.add.f32 [tilespmem:s18], [sflag:$0x3], $0x80, s29, s17, $0xb8;
	[tilespmem:$0x1E000] =	vst v63  }
0x2a: {  	_ =	swait.ge [sflag:s22], $0x1900  }
0x2b: {  	[sflag:s22] =	ssyncset.done $0x0  }
0x2c: {  	s29 =	simm.s32 $0x3480;
	[sflag:s22] =	ssyncadd.s32 $0xFFFFE700  }
0x2d: {  	[spmem:s2] =	stream.indirect.scatter.add.f32 [tilespmem:s20], [sflag:$0x4], $0x80, s29, s17, $0xb8;
	[tilespmem:$0x1E000] =	vst v63  }
0x2e: {  	_ =	swait.ge [sflag:s23], $0x1900  }
0x2f: {  	[sflag:s23] =	ssyncset.done $0x0  }
0x30: {  	s29 =	simm.s32 $0x100;
	[sflag:s23] =	ssyncadd.s32 $0xFFFFE700  }
0x31: {  	[tilespmem:s18], [sflag:$0x1] =	stream.indirect.gather [hbm4b:s1+s17], $0x80, s29, s17, $0xb8;
	[tilespmem:$0x1E000] =	vst v63  }
0x32: {  	_ =	swait.ge [sflag:s24], $0x1900  }
0x33: {  	[sflag:s24] =	ssyncset.done $0x0  }
0x34: {  	s30 =	simm.s32 $0x180;
	s29 =	simm.s32 $0x400;
	[sflag:s24] =	ssyncadd.s32 $0xFFFFE700  }
.LBB2_2:
0x35: {  	[tilespmem:s20], [sflag:$0x2] =	stream.indirect.gather [hbm4b:s1+s17], $0x80, s30, s17, $0xb8;
	[tilespmem:$0x1E000] =	vst v63  }
0x36: {  	s30 =	smov.u32 s29  }
0x37: {  	p0 =	sne.s32 s29, $0xC000;
	s29 =	sadd.s32 $0x400, s29;
	_ =	swait.ge [sflag:s21], $0x1900  }
0x38: {  	s30 =	sshra.s32 s30, $0x2;
	[sflag:s21] =	ssyncset.done $0x0  }
0x39: {  	s31 =	sadd.s32 $0x3400, s30;
	[sflag:s21] =	ssyncadd.s32 $0xFFFFE700  }
0x3a: {  	[spmem:s2] =	stream.indirect.scatter.add.f32 [tilespmem:s18], [sflag:$0x3], $0x80, s31, s17, $0xb8;
	[tilespmem:$0x1E000] =	vst v63  }
0x3b: {  	_ =	swait.ge [sflag:s22], $0x1900  }
0x3c: {  	[sflag:s22] =	ssyncset.done $0x0  }
0x3d: {  	s31 =	sadd.s32 $0x3480, s30;
	[sflag:s22] =	ssyncadd.s32 $0xFFFFE700  }
0x3e: {  	[spmem:s2] =	stream.indirect.scatter.add.f32 [tilespmem:s20], [sflag:$0x4], $0x80, s31, s17, $0xb8;
	[tilespmem:$0x1E000] =	vst v63  }
0x3f: {  	_ =	swait.ge [sflag:s23], $0x1900  }
0x40: {  	[sflag:s23] =	ssyncset.done $0x0  }
.Ltmp0:
0x41: {  	s31 =	sadd.s32 $0x100, s30;
	[sflag:s23] =	ssyncadd.s32 $0xFFFFE700;
	(pc) =	sbr.rel @p0 .LBB2_2-.Ltmp0, $4  }
0x42: {  	[tilespmem:s18], [sflag:$0x1] =	stream.indirect.gather [hbm4b:s1+s17], $0x80, s31, s17, $0xb8;
	[tilespmem:$0x1E000] =	vst v63  }
0x43: {  	_ =	swait.ge [sflag:s24], $0x1900  }
0x44: {  	[sflag:s24] =	ssyncset.done $0x0  }
0x45: {  	s30 =	sadd.s32 $0x180, s30;
	[sflag:s24] =	ssyncadd.s32 $0xFFFFE700  }
0x46: {  	[tilespmem:s20], [sflag:$0x2] =	stream.indirect.gather [hbm4b:s1+s17], $0x80, s30, s17, $0xb8;
	[tilespmem:$0x1E000] =	vst v63  }
0x47: {  	_ =	swait.ge [sflag:s21], $0x1900  }
0x48: {  	[sflag:s21] =	ssyncset.done $0x0  }
0x49: {  	[sflag:s21] =	ssyncadd.s32 $0xFFFFE700  }
0x4a: {  	[spmem:s2] =	stream.indirect.scatter.add.f32 [tilespmem:s18], [sflag:$0x3], $0x80, s25, s17, $0xb8;
	[tilespmem:$0x1E000] =	vst v63  }
0x4b: {  	_ =	swait.ge [sflag:s22], $0x1900  }
0x4c: {  	[sflag:s22] =	ssyncset.done $0x0  }
0x4d: {  	[sflag:s22] =	ssyncadd.s32 $0xFFFFE700  }
0x4e: {  	[spmem:s2] =	stream.indirect.scatter.add.f32 [tilespmem:s20], [sflag:$0x4], $0x80, s26, s17, $0xb8;
	[tilespmem:$0x1E000] =	vst v63  }
0x4f: {  	_ =	swait.ge [sflag:s23], $0x1900  }
0x50: {  	[sflag:s23] =	ssyncset.done $0x0  }
0x51: {  	[sflag:s23] =	ssyncadd.s32 $0xFFFFE700  }
0x52: {  	_ =	swait.ge [sflag:s24], $0x1900  }
0x53: {  	[sflag:s24] =	ssyncset.done $0x0  }
0x54: {  	[sflag:s24] =	ssyncadd.s32 $0xFFFFE700  }
0x55: {  	[bflag:$0x0] =	sbarrier.arrive $0xFFFF  }
0x56: {  	[hbm:s10], [sflag:s7] =	dma.local [spmem:s14], $0x2800  }
0x57: {  	_ =	swait.ge [sflag:s15], $0x2800  }
0x58: {  	[sflag:s15] =	ssyncset.done $0x0  }
0x59: {  	[sflag:s15] =	ssyncadd.s32 $0xFFFFD800  }
0x5a: {  	[spmem:s14], [sflag:s7] =	dma.local [hbm:s5], $0x2800  }
0x5b: {  	_ =	swait.ge [sflag:s15], $0x2800  }
0x5c: {  	[sflag:s15] =	ssyncset.done $0x0  }
0x5d: {  	s29 =	simm.s32 $0x0;
	[sflag:s15] =	ssyncadd.s32 $0xFFFFD800  }
0x5e: {  	[tilespmem:s29], [sflag:$0x5] =	stream.linear.gather [hbm4b:s9+s29], $0x3200, $0x38;
	[tilespmem:$0x1E000] =	vst v63  }
0x5f: {  	_ =	swait.ge [sflag:s15], $0x3200  }
0x60: {  	[sflag:s15] =	ssyncset.done $0x0  }
0x61: {  	[sflag:s15] =	ssyncadd.s32 $0xFFFFCE00  }
0x62: {  	[tilespmem:s16], [sflag:$0x5] =	stream.linear.gather [hbm4b:s11+s29], $0x3200, $0x38;
	[tilespmem:$0x1E000] =	vst v63  }
0x63: {  	_ =	swait.ge [sflag:s15], $0x3200  }
0x64: {  	[sflag:s15] =	ssyncset.done $0x0  }
0x65: {  	[sflag:s15] =	ssyncadd.s32 $0xFFFFCE00  }
0x66: {  	[bflag:$0x0] =	sbarrier.arrive $0xFFFF  }
0x67: {  	[tilespmem:s18], [sflag:$0x1] =	stream.indirect.gather [hbm4b:s1+s17], $0x80, s29, s17, $0xb8;
	[tilespmem:$0x1E000] =	vst v63  }
0x68: {  	_ = 	snop  }
0x69: {  	[tilespmem:s20], [sflag:$0x2] =	stream.indirect.gather [hbm4b:s1+s17], $0x80, s19, s17, $0xb8;
	[tilespmem:$0x1E000] =	vst v63  }
0x6a: {  	_ =	swait.ge [sflag:s21], $0x1900  }
0x6b: {  	[sflag:s21] =	ssyncset.done $0x0  }
0x6c: {  	s29 =	simm.s32 $0x3400;
	[sflag:s21] =	ssyncadd.s32 $0xFFFFE700  }
0x6d: {  	[spmem:s2] =	stream.indirect.scatter.add.f32 [tilespmem:s18], [sflag:$0x3], $0x80, s29, s17, $0xb8;
	[tilespmem:$0x1E000] =	vst v63  }
0x6e: {  	_ =	swait.ge [sflag:s22], $0x1900  }
0x6f: {  	[sflag:s22] =	ssyncset.done $0x0  }
0x70: {  	s29 =	simm.s32 $0x3480;
	[sflag:s22] =	ssyncadd.s32 $0xFFFFE700  }
0x71: {  	[spmem:s2] =	stream.indirect.scatter.add.f32 [tilespmem:s20], [sflag:$0x4], $0x80, s29, s17, $0xb8;
	[tilespmem:$0x1E000] =	vst v63  }
0x72: {  	_ =	swait.ge [sflag:s23], $0x1900  }
0x73: {  	[sflag:s23] =	ssyncset.done $0x0  }
0x74: {  	s29 =	simm.s32 $0x100;
	[sflag:s23] =	ssyncadd.s32 $0xFFFFE700  }
0x75: {  	[tilespmem:s18], [sflag:$0x1] =	stream.indirect.gather [hbm4b:s1+s17], $0x80, s29, s17, $0xb8;
	[tilespmem:$0x1E000] =	vst v63  }
0x76: {  	_ =	swait.ge [sflag:s24], $0x1900  }
0x77: {  	[sflag:s24] =	ssyncset.done $0x0  }
0x78: {  	s30 =	simm.s32 $0x180;
	s29 =	simm.s32 $0x400;
	[sflag:s24] =	ssyncadd.s32 $0xFFFFE700  }
.LBB2_4:
0x79: {  	[tilespmem:s20], [sflag:$0x2] =	stream.indirect.gather [hbm4b:s1+s17], $0x80, s30, s17, $0xb8;
	[tilespmem:$0x1E000] =	vst v63  }
0x7a: {  	s30 =	smov.u32 s29  }
0x7b: {  	p0 =	sne.s32 s29, $0xC000;
	s29 =	sadd.s32 $0x400, s29;
	_ =	swait.ge [sflag:s21], $0x1900  }
0x7c: {  	s30 =	sshra.s32 s30, $0x2;
	[sflag:s21] =	ssyncset.done $0x0  }
0x7d: {  	s31 =	sadd.s32 $0x3400, s30;
	[sflag:s21] =	ssyncadd.s32 $0xFFFFE700  }
0x7e: {  	[spmem:s2] =	stream.indirect.scatter.add.f32 [tilespmem:s18], [sflag:$0x3], $0x80, s31, s17, $0xb8;
	[tilespmem:$0x1E000] =	vst v63  }
0x7f: {  	_ =	swait.ge [sflag:s22], $0x1900  }
0x80: {  	[sflag:s22] =	ssyncset.done $0x0  }
0x81: {  	s31 =	sadd.s32 $0x3480, s30;
	[sflag:s22] =	ssyncadd.s32 $0xFFFFE700  }
0x82: {  	[spmem:s2] =	stream.indirect.scatter.add.f32 [tilespmem:s20], [sflag:$0x4], $0x80, s31, s17, $0xb8;
	[tilespmem:$0x1E000] =	vst v63  }
0x83: {  	_ =	swait.ge [sflag:s23], $0x1900  }
0x84: {  	[sflag:s23] =	ssyncset.done $0x0  }
.Ltmp1:
0x85: {  	s31 =	sadd.s32 $0x100, s30;
	[sflag:s23] =	ssyncadd.s32 $0xFFFFE700;
	(pc) =	sbr.rel @p0 .LBB2_4-.Ltmp1, $4  }
0x86: {  	[tilespmem:s18], [sflag:$0x1] =	stream.indirect.gather [hbm4b:s1+s17], $0x80, s31, s17, $0xb8;
	[tilespmem:$0x1E000] =	vst v63  }
0x87: {  	_ =	swait.ge [sflag:s24], $0x1900  }
0x88: {  	[sflag:s24] =	ssyncset.done $0x0  }
0x89: {  	s30 =	sadd.s32 $0x180, s30;
	[sflag:s24] =	ssyncadd.s32 $0xFFFFE700  }
0x8a: {  	[tilespmem:s20], [sflag:$0x2] =	stream.indirect.gather [hbm4b:s1+s17], $0x80, s30, s17, $0xb8;
	[tilespmem:$0x1E000] =	vst v63  }
0x8b: {  	_ =	swait.ge [sflag:s21], $0x1900  }
0x8c: {  	[sflag:s21] =	ssyncset.done $0x0  }
0x8d: {  	[sflag:s21] =	ssyncadd.s32 $0xFFFFE700  }
0x8e: {  	[spmem:s2] =	stream.indirect.scatter.add.f32 [tilespmem:s18], [sflag:$0x3], $0x80, s25, s17, $0xb8;
	[tilespmem:$0x1E000] =	vst v63  }
0x8f: {  	_ =	swait.ge [sflag:s22], $0x1900  }
0x90: {  	[sflag:s22] =	ssyncset.done $0x0  }
0x91: {  	[sflag:s22] =	ssyncadd.s32 $0xFFFFE700  }
0x92: {  	[spmem:s2] =	stream.indirect.scatter.add.f32 [tilespmem:s20], [sflag:$0x4], $0x80, s26, s17, $0xb8;
	[tilespmem:$0x1E000] =	vst v63  }
0x93: {  	_ =	swait.ge [sflag:s23], $0x1900  }
0x94: {  	[sflag:s23] =	ssyncset.done $0x0  }
0x95: {  	[sflag:s23] =	ssyncadd.s32 $0xFFFFE700  }
0x96: {  	_ =	swait.ge [sflag:s24], $0x1900  }
0x97: {  	s28 =	sadd.s32 $0x1, s28;
	[sflag:s24] =	ssyncset.done $0x0  }
0x98: {  	p0 =	sne.s32 s28, s13;
	[sflag:s24] =	ssyncadd.s32 $0xFFFFE700  }
.Ltmp2:
0x99: {  	[bflag:$0x0] =	sbarrier.arrive $0xFFFF;
	(pc) =	sbr.rel @p0 .LBB2_1-.Ltmp2, $4  }
0x9a: {  	[hbm:s12], [sflag:s7] =	dma.local [spmem:s14], $0x2800  }
0x9b: {  	_ =	swait.ge [sflag:s15], $0x2800  }
0x9c: {  	[sflag:s15] =	ssyncset.done $0x0  }
0x9d: {  	[sflag:s15] =	ssyncadd.s32 $0xFFFFD800  }
0x9e: {  	_ =	sfence.sel $0x180000  }
0x9f: {  	[bflag:$0x0] =	sbarrier.arrive $0xFFFF  }
0xa0: {  	p0 =	sne.s32 s3, $0x0;
	_ =	strace $0x90000047  }
0xa1: {  	s0 =	sadd.s32 @!p0 $0x100000, s0;
	[bflag:$0x2] =	sbarrier.arrive $0xFFFF  }
0xa2: {  	[sflag:s0] =	ssyncadd.tile.s32 @!p0 $0x1;
	_ =	shalt  }
.Lfunc_end2:
_tile_overlayer_lowered:
.L_overlay_start_2:
0xa3: {  	(tag) =	ssettag $0x2  }
0xa4: {  	s0 =	rddreg [dreg:$0x0];
	s2 =	stileid.u32  }
0xa5: {  	s1 =	rddreg [dreg:$0x1];
	p0 =	sne.s32 s2, $0x0  }
0xa6: {  	s3 =	rddreg [dreg:$0x2];
	[bflag:$0x3] =	sbarrier.arrive $0xFFFF;
	s2 =	simm.s32 @!p0 $0x1C05  }
0xa7: {  	[timem:s3], [sflag:s2] =	dma.local @!p0 [hbm:s0], s1  }
0xa8: {  	s0 =	simm.s32 @!p0 $0x5  }
0xa9: {  	_ =	swait.ge @!p0 [sflag:s0], s1  }
0xaa: {  	s1 =	ssub.s32 @!p0 $0x0, s1;
	[sflag:s0] =	ssyncset.done @!p0 $0x0  }
0xab: {  	[sflag:s0] =	ssyncadd.s32 @!p0 s1  }
0xac: {  	[bflag:$0x3] =	sbarrier.arrive $0xFFFF  }
0xad: {  	_ =	shalt  }

</sc_bundles>
